<compile_context>
chip_gen: v7x
topology: tpu7x:2x2x1
jax: 0.10.2.dev20260603
libtpu: 0.0.44.dev20260713+nightly
codegen_flags: <defaults>
</compile_context>

<pallas_src>
import jax
import jax.numpy as jnp
from jax import lax
from jax.experimental import pallas as pl
from jax.experimental.pallas import tpu as pltpu
from jax.experimental.pallas import tpu_sc as plsc

IN_F = 2048
OUT_F = 2048
RANK = 64
SCALING = 16 / 64
NNZ = int(0.01 * IN_F * OUT_F)
W_WORDS = OUT_F * IN_F

N_WORKERS = 32
REGIONS_PER_WORKER = 2
N_REGIONS = N_WORKERS * REGIONS_PER_WORKER
REGION = W_WORDS // N_REGIONS
CHUNK = 1024
NK_PAD = 43008
LANES = 16


ROWS_PER_REGION = REGION // IN_F


def _sc_scatter_body(idx_hbm, val_hbm, bounds_hbm, w_hbm,
                     wbuf, idxbuf, valbuf, bbuf):
    wid = lax.axis_index("c") * 16 + lax.axis_index("s")
    pltpu.sync_copy(bounds_hbm, bbuf)
    bv = bbuf[pl.ds(pl.multiple_of(wid * LANES, LANES), LANES)]

    for p in range(REGIONS_PER_WORKER):
        r = wid * REGIONS_PER_WORKER + p
        base = r * REGION

        zero16 = jnp.zeros((LANES,), jnp.float32)

        def _zero(i, _):
            for u in range(IN_F // LANES):
                wbuf[i, pl.ds(u * LANES, LANES)] = zero16
            return 0

        lax.fori_loop(0, ROWS_PER_REGION, _zero, 0)

        s0 = bv[p]
        e0 = bv[p + 1]
        a0 = pl.multiple_of((s0 >> 3) << 3, 8)
        nch = (e0 - a0 + (CHUNK - 1)) >> 10

        def _chunk(t, _):
            off = pl.multiple_of(a0 + t * CHUNK, 8)
            pltpu.sync_copy(idx_hbm.at[pl.ds(off, CHUNK)], idxbuf)
            pltpu.sync_copy(val_hbm.at[pl.ds(off, CHUNK)], valbuf)

            def _scat(j, _):
                iv = idxbuf[pl.ds(j * LANES, LANES)]
                vv = valbuf[pl.ds(j * LANES, LANES)]
                m = (iv >= base) & (iv < base + REGION)
                lv = jnp.where(m, iv - base, 0)
                plsc.store_scatter(
                    wbuf, [lv >> 11, lv & (IN_F - 1)], vv, mask=m
                )
                return 0

            lax.fori_loop(0, CHUNK // LANES, _scat, 0)
            return 0

        lax.fori_loop(0, nch, _chunk, 0)

        row0 = pl.multiple_of(r * ROWS_PER_REGION, 8)
        pltpu.sync_copy(wbuf, w_hbm.at[pl.ds(row0, ROWS_PER_REGION)])


def _build_w_sp(idx_pad, val_pad, bounds):
    mesh = plsc.VectorSubcoreMesh(
        core_axis_name="c", subcore_axis_name="s", num_cores=2, num_subcores=16
    )
    k = pl.kernel(
        _sc_scatter_body,
        out_type=jax.ShapeDtypeStruct((OUT_F, IN_F), jnp.float32),
        mesh=mesh,
        scratch_types=[
            pltpu.VMEM((ROWS_PER_REGION, IN_F), jnp.float32),
            pltpu.VMEM((CHUNK,), jnp.int32),
            pltpu.VMEM((CHUNK,), jnp.float32),
            pltpu.VMEM((N_WORKERS * LANES,), jnp.int32),
        ],
        compiler_params=pltpu.CompilerParams(needs_layout_passes=False),
    )
    return k(idx_pad, val_pad, bounds)


BM = 512


def _mm_body(x_ref, wsp_ref, b_ref, a_ref, bias_ref, out_ref, wc_ref):
    @pl.when(pl.program_id(0) == 0)
    def _():
        lr = lax.dot_general(
            (b_ref[...] * SCALING).astype(jnp.bfloat16),
            a_ref[...].astype(jnp.bfloat16),
            (((1,), (0,)), ((), ())),
            preferred_element_type=jnp.float32,
        )
        wc_ref[...] = (wsp_ref[...] + lr).astype(jnp.bfloat16)

    acc = lax.dot_general(
        x_ref[...].astype(jnp.bfloat16),
        wc_ref[...],
        (((1,), (1,)), ((), ())),
        preferred_element_type=jnp.float32,
    )
    out_ref[...] = acc + bias_ref[...]


def _fused_matmul(x2d, w_sp, lora_B, lora_A, bias2d):
    m_blocks = x2d.shape[0] // BM
    return pl.pallas_call(
        _mm_body,
        grid=(m_blocks,),
        in_specs=[
            pl.BlockSpec((BM, IN_F), lambda m: (m, 0)),
            pl.BlockSpec((OUT_F, IN_F), lambda m: (0, 0)),
            pl.BlockSpec((OUT_F, RANK), lambda m: (0, 0)),
            pl.BlockSpec((RANK, IN_F), lambda m: (0, 0)),
            pl.BlockSpec((1, OUT_F), lambda m: (0, 0)),
        ],
        out_specs=pl.BlockSpec((BM, OUT_F), lambda m: (m, 0)),
        out_shape=jax.ShapeDtypeStruct((x2d.shape[0], OUT_F), jnp.float32),
        scratch_shapes=[pltpu.VMEM((OUT_F, IN_F), jnp.bfloat16)],
    )(x2d, w_sp, lora_B, lora_A, bias2d)


def kernel(x, lora_B, lora_A, sparse_value, sparse_index, bias):
    b, s, _ = x.shape
    idx = sparse_index.astype(jnp.int32)
    pad = NK_PAD - NNZ
    idx_pad = jnp.concatenate([idx, jnp.full((pad,), -1, jnp.int32)])
    val_pad = jnp.concatenate([sparse_value, jnp.zeros((pad,), jnp.float32)])
    boundaries = jnp.arange(N_REGIONS + 1, dtype=jnp.int32) * REGION
    bounds = jnp.sum(
        (idx[None, :] < boundaries[:, None]).astype(jnp.int32), axis=1
    )
    row_idx = (
        jnp.arange(N_WORKERS)[:, None] * REGIONS_PER_WORKER
        + jnp.arange(REGIONS_PER_WORKER + 1)[None, :]
    )
    bounds_rows = jnp.pad(
        bounds[row_idx], ((0, 0), (0, LANES - REGIONS_PER_WORKER - 1))
    ).reshape(-1)
    w_sp = _build_w_sp(idx_pad, val_pad, bounds_rows)

    x2d = x.reshape(b * s, IN_F)
    out2d = _fused_matmul(x2d, w_sp, lora_B, lora_A, bias.reshape(1, OUT_F))
    return out2d.reshape(b, s, OUT_F)

# --- scband reference (transcript-rebuilt; emitter-appended) ---
"""Pipeline reference for scband-sp-lo-ra-linear-61134564491363 (READ-ONLY COPY).

The authoritative reference and input builder live on the scoring server;
editing this copy changes nothing except your own understanding.
"""

import jax, jax.numpy as jnp
import numpy as np
import math

IN_F = 2048
OUT_F = 2048
R = 64
SP_RATIO = 0.01
LORA_ALPHA = 16
SCALING = LORA_ALPHA / R
NNZ = int(SP_RATIO * IN_F * OUT_F)  # 41943
BATCH = 2
SEQ = 2048


def setup_inputs(seed: int = 0) -> dict:
    key = jax.random.key(seed)
    k_x, k_a, k_b, k_dv, k_di, k_bias = jax.random.split(key, 6)
    x = jax.random.normal(k_x, (BATCH, SEQ, IN_F), dtype=jnp.float32)
    # lora_A: kaiming_uniform(a=sqrt(5)) -> bound = 1/sqrt(in_features)
    a_bound = 1.0 / math.sqrt(IN_F)
    lora_A = jax.random.uniform(k_a, (R, IN_F), dtype=jnp.float32, minval=-a_bound, maxval=a_bound)
    # module inits lora_B to zeros; use small random values so output/backward are nontrivial
    lora_B = jax.random.normal(k_b, (OUT_F, R), dtype=jnp.float32) * 0.02
    # sparse values: uniform(-1/sqrt(in), 1/sqrt(in))
    sparse_value = jax.random.uniform(k_dv, (NNZ,), dtype=jnp.float32, minval=-a_bound, maxval=a_bound)
    # sparse indices: sorted random subset (without replacement) of flat [out*in] positions
    perm = jax.random.permutation(k_di, IN_F * OUT_F)
    sparse_index = jnp.sort(perm[:NNZ]).astype(jnp.int64)
    b_bound = 1.0 / math.sqrt(OUT_F)
    bias = jax.random.uniform(k_bias, (OUT_F,), dtype=jnp.float32, minval=-b_bound, maxval=b_bound)
    return {
        "x": x,
        "lora_B": lora_B,
        "lora_A": lora_A,
        "sparse_value": sparse_value,
        "sparse_index": sparse_index,
        "bias": bias,
    }


def reference(x, lora_B, lora_A, sparse_value, sparse_index, bias):
    # Faithful translation of SpLoRaLinear.forward:
    #   out = x @ (scaling * lora_A).T @ lora_B.T + x @ W_sp.T + bias
    A_scaled = lora_A * SCALING  # (r, in)
    low_rank = jnp.matmul(jnp.matmul(x, A_scaled.T), lora_B.T)  # (B, S, out)
    # scatter sparse values into dense [out, in] weight (overwrite at flat indices)
    w_sp_flat = jnp.zeros((OUT_F * IN_F,), dtype=x.dtype).at[sparse_index].set(sparse_value)
    W_sp = w_sp_flat.reshape(OUT_F, IN_F)
    sparse_out = jnp.matmul(x, W_sp.T)  # (B, S, out)
    return low_rank + sparse_out + bias

if __name__ == "__main__":
    import jax
    _d = setup_inputs()
    print(jax.jit(kernel)(*tuple(_d.values())))

</pallas_src>

<mosaic_0001>
#map = affine_map<(d0, d1) -> (0)>
#map1 = affine_map<(d0, d1) -> (0, 0)>
module attributes {stable_mosaic.version = 14 : i64} {
  func.func @_sc_scatter_body(%arg0: i32, %arg1: i32, %arg2: memref<43008xi32, #tpu.memory_space<hbm>>, %arg3: memref<43008xf32, #tpu.memory_space<hbm>>, %arg4: memref<512xi32, #tpu.memory_space<hbm>>, %arg5: memref<2048x2048xf32, #tpu.memory_space<hbm>>, %arg6: memref<32x2048xf32, #tpu.memory_space<vmem>>, %arg7: memref<1024xi32, #tpu.memory_space<vmem>>, %arg8: memref<1024xf32, #tpu.memory_space<vmem>>, %arg9: memref<512xi32, #tpu.memory_space<vmem>>) attributes {dimension_semantics = [#tpu.dimension_semantics<core_parallel>, #tpu.dimension_semantics<subcore_parallel>], iteration_bounds = array<i64: 2, 16>, scalar_prefetch = 0 : i64, scratch_operands = 4 : i64, tpu.core_type = #tpu.core_type<sc_vector_subcore>, window_params = [{transform_indices = #map}, {transform_indices = #map}, {transform_indices = #map}, {transform_indices = #map1}]} {
    %mul3A = arith.constant 16 : i32
    %mul3A_0 = arith.muli %arg0, %mul3A : i32
    %add3A = arith.addi %mul3A_0, %arg1 : i32
    "tpu.region"() ({
      %run_scoped3A = tpu.sem_alloc : memref<!tpu.dma_semaphore, #tpu.memory_space<semaphore_mem>>
      tpu.enqueue_dma source(%arg4 : memref<512xi32, #tpu.memory_space<hbm>>) target(%arg9 : memref<512xi32, #tpu.memory_space<vmem>>) target_semaphore(%run_scoped3A : memref<!tpu.dma_semaphore, #tpu.memory_space<semaphore_mem>>)
      tpu.wait_dma2 semaphore(%run_scoped3A : memref<!tpu.dma_semaphore, #tpu.memory_space<semaphore_mem>>) src(%arg4 : memref<512xi32, #tpu.memory_space<hbm>>) dst(%arg9 : memref<512xi32, #tpu.memory_space<vmem>>)
      tpu.yield
    }) : () -> ()
    %mul3A_1 = arith.constant 16 : i32
    %mul3A_2 = arith.muli %add3A, %mul3A_1 : i32
    %multiple_of3A = tpu.assume_multiple %mul3A_2, 16 : i32
    %get3A = arith.index_cast %multiple_of3A : i32 to index
    %get3A_3 = tpu.vector_load %arg9[%get3A] {strides = array<i32>} : memref<512xi32, #tpu.memory_space<vmem>>, vector<16xi32>,
    %mul3A_4 = arith.constant 2 : i32
    %mul3A_5 = arith.muli %add3A, %mul3A_4 : i32
    %add3A_6 = arith.constant 0 : i32
    %add3A_7 = arith.addi %mul3A_5, %add3A_6 : i32
    %mul3A_8 = arith.constant 65536 : i32
    %mul3A_9 = arith.muli %add3A_7, %mul3A_8 : i32
    %broadcast_in_dim3A = arith.constant 0.000000e+00 : f32
    %broadcast_in_dim3A_10 = vector.broadcast %broadcast_in_dim3A : f32 to vector<16xf32>
    %scan3A = arith.constant 0 : i32
    %scan3A_11 = arith.constant 0 : i32
    %scan3A_12 = arith.constant 32 : i32
    %scan3A_13 = arith.addi %scan3A_11, %scan3A_12 : i32
    %scan3A_14 = arith.constant 1 : i32
    %scan3A_15 = scf.for %scan3A_84 = %scan3A_11 to %scan3A_13 step %scan3A_14 iter_args(%scan3A_85 = %scan3A) -> (i32)  : i32 {
      %swap3A = arith.index_cast %scan3A_84 : i32 to index
      %swap3A_86 = arith.constant 0 : index
      %swap3A_87 = tpu.vector_load %arg6[%swap3A, %swap3A_86] {strides = array<i32>} : memref<32x2048xf32, #tpu.memory_space<vmem>>, vector<16xf32>,
      tpu.vector_store %arg6[%swap3A, %swap3A_86], %broadcast_in_dim3A_10 {strides = array<i32>} : memref<32x2048xf32, #tpu.memory_space<vmem>>, vector<16xf32>,
      %swap3A_88 = arith.index_cast %scan3A_84 : i32 to index
      %swap3A_89 = arith.constant 16 : index
      %swap3A_90 = tpu.vector_load %arg6[%swap3A_88, %swap3A_89] {strides = array<i32>} : memref<32x2048xf32, #tpu.memory_space<vmem>>, vector<16xf32>,
      tpu.vector_store %arg6[%swap3A_88, %swap3A_89], %broadcast_in_dim3A_10 {strides = array<i32>} : memref<32x2048xf32, #tpu.memory_space<vmem>>, vector<16xf32>,
      %swap3A_91 = arith.index_cast %scan3A_84 : i32 to index
      %swap3A_92 = arith.constant 32 : index
      %swap3A_93 = tpu.vector_load %arg6[%swap3A_91, %swap3A_92] {strides = array<i32>} : memref<32x2048xf32, #tpu.memory_space<vmem>>, vector<16xf32>,
      tpu.vector_store %arg6[%swap3A_91, %swap3A_92], %broadcast_in_dim3A_10 {strides = array<i32>} : memref<32x2048xf32, #tpu.memory_space<vmem>>, vector<16xf32>,
      %swap3A_94 = arith.index_cast %scan3A_84 : i32 to index
      %swap3A_95 = arith.constant 48 : index
      %swap3A_96 = tpu.vector_load %arg6[%swap3A_94, %swap3A_95] {strides = array<i32>} : memref<32x2048xf32, #tpu.memory_space<vmem>>, vector<16xf32>,
      tpu.vector_store %arg6[%swap3A_94, %swap3A_95], %broadcast_in_dim3A_10 {strides = array<i32>} : memref<32x2048xf32, #tpu.memory_space<vmem>>, vector<16xf32>,
      %swap3A_97 = arith.index_cast %scan3A_84 : i32 to index
      %swap3A_98 = arith.constant 64 : index
      %swap3A_99 = tpu.vector_load %arg6[%swap3A_97, %swap3A_98] {strides = array<i32>} : memref<32x2048xf32, #tpu.memory_space<vmem>>, vector<16xf32>,
      tpu.vector_store %arg6[%swap3A_97, %swap3A_98], %broadcast_in_dim3A_10 {strides = array<i32>} : memref<32x2048xf32, #tpu.memory_space<vmem>>, vector<16xf32>,
      %swap3A_100 = arith.index_cast %scan3A_84 : i32 to index
      %swap3A_101 = arith.constant 80 : index
      %swap3A_102 = tpu.vector_load %arg6[%swap3A_100, %swap3A_101] {strides = array<i32>} : memref<32x2048xf32, #tpu.memory_space<vmem>>, vector<16xf32>,
      tpu.vector_store %arg6[%swap3A_100, %swap3A_101], %broadcast_in_dim3A_10 {strides = array<i32>} : memref<32x2048xf32, #tpu.memory_space<vmem>>, vector<16xf32>,
      %swap3A_103 = arith.index_cast %scan3A_84 : i32 to index
      %swap3A_104 = arith.constant 96 : index
      %swap3A_105 = tpu.vector_load %arg6[%swap3A_103, %swap3A_104] {strides = array<i32>} : memref<32x2048xf32, #tpu.memory_space<vmem>>, vector<16xf32>,
      tpu.vector_store %arg6[%swap3A_103, %swap3A_104], %broadcast_in_dim3A_10 {strides = array<i32>} : memref<32x2048xf32, #tpu.memory_space<vmem>>, vector<16xf32>,
      %swap3A_106 = arith.index_cast %scan3A_84 : i32 to index
      %swap3A_107 = arith.constant 112 : index
      %swap3A_108 = tpu.vector_load %arg6[%swap3A_106, %swap3A_107] {strides = array<i32>} : memref<32x2048xf32, #tpu.memory_space<vmem>>, vector<16xf32>,
      tpu.vector_store %arg6[%swap3A_106, %swap3A_107], %broadcast_in_dim3A_10 {strides = array<i32>} : memref<32x2048xf32, #tpu.memory_space<vmem>>, vector<16xf32>,
      %swap3A_109 = arith.index_cast %scan3A_84 : i32 to index
      %swap3A_110 = arith.constant 128 : index
      %swap3A_111 = tpu.vector_load %arg6[%swap3A_109, %swap3A_110] {strides = array<i32>} : memref<32x2048xf32, #tpu.memory_space<vmem>>, vector<16xf32>,
      tpu.vector_store %arg6[%swap3A_109, %swap3A_110], %broadcast_in_dim3A_10 {strides = array<i32>} : memref<32x2048xf32, #tpu.memory_space<vmem>>, vector<16xf32>,
      %swap3A_112 = arith.index_cast %scan3A_84 : i32 to index
      %swap3A_113 = arith.constant 144 : index
      %swap3A_114 = tpu.vector_load %arg6[%swap3A_112, %swap3A_113] {strides = array<i32>} : memref<32x2048xf32, #tpu.memory_space<vmem>>, vector<16xf32>,
      tpu.vector_store %arg6[%swap3A_112, %swap3A_113], %broadcast_in_dim3A_10 {strides = array<i32>} : memref<32x2048xf32, #tpu.memory_space<vmem>>, vector<16xf32>,
      %swap3A_115 = arith.index_cast %scan3A_84 : i32 to index
      %swap3A_116 = arith.constant 160 : index
      %swap3A_117 = tpu.vector_load %arg6[%swap3A_115, %swap3A_116] {strides = array<i32>} : memref<32x2048xf32, #tpu.memory_space<vmem>>, vector<16xf32>,
      tpu.vector_store %arg6[%swap3A_115, %swap3A_116], %broadcast_in_dim3A_10 {strides = array<i32>} : memref<32x2048xf32, #tpu.memory_space<vmem>>, vector<16xf32>,
      %swap3A_118 = arith.index_cast %scan3A_84 : i32 to index
      %swap3A_119 = arith.constant 176 : index
      %swap3A_120 = tpu.vector_load %arg6[%swap3A_118, %swap3A_119] {strides = array<i32>} : memref<32x2048xf32, #tpu.memory_space<vmem>>, vector<16xf32>,
      tpu.vector_store %arg6[%swap3A_118, %swap3A_119], %broadcast_in_dim3A_10 {strides = array<i32>} : memref<32x2048xf32, #tpu.memory_space<vmem>>, vector<16xf32>,
      %swap3A_121 = arith.index_cast %scan3A_84 : i32 to index
      %swap3A_122 = arith.constant 192 : index
      %swap3A_123 = tpu.vector_load %arg6[%swap3A_121, %swap3A_122] {strides = array<i32>} : memref<32x2048xf32, #tpu.memory_space<vmem>>, vector<16xf32>,
      tpu.vector_store %arg6[%swap3A_121, %swap3A_122], %broadcast_in_dim3A_10 {strides = array<i32>} : memref<32x2048xf32, #tpu.memory_space<vmem>>, vector<16xf32>,
      %swap3A_124 = arith.index_cast %scan3A_84 : i32 to index
      %swap3A_125 = arith.constant 208 : index
      %swap3A_126 = tpu.vector_load %arg6[%swap3A_124, %swap3A_125] {strides = array<i32>} : memref<32x2048xf32, #tpu.memory_space<vmem>>, vector<16xf32>,
      tpu.vector_store %arg6[%swap3A_124, %swap3A_125], %broadcast_in_dim3A_10 {strides = array<i32>} : memref<32x2048xf32, #tpu.memory_space<vmem>>, vector<16xf32>,
      %swap3A_127 = arith.index_cast %scan3A_84 : i32 to index
      %swap3A_128 = arith.constant 224 : index
      %swap3A_129 = tpu.vector_load %arg6[%swap3A_127, %swap3A_128] {strides = array<i32>} : memref<32x2048xf32, #tpu.memory_space<vmem>>, vector<16xf32>,
      tpu.vector_store %arg6[%swap3A_127, %swap3A_128], %broadcast_in_dim3A_10 {strides = array<i32>} : memref<32x2048xf32, #tpu.memory_space<vmem>>, vector<16xf32>,
      %swap3A_130 = arith.index_cast %scan3A_84 : i32 to index
      %swap3A_131 = arith.constant 240 : index
      %swap3A_132 = tpu.vector_load %arg6[%swap3A_130, %swap3A_131] {strides = array<i32>} : memref<32x2048xf32, #tpu.memory_space<vmem>>, vector<16xf32>,
      tpu.vector_store %arg6[%swap3A_130, %swap3A_131], %broadcast_in_dim3A_10 {strides = array<i32>} : memref<32x2048xf32, #tpu.memory_space<vmem>>, vector<16xf32>,
      %swap3A_133 = arith.index_cast %scan3A_84 : i32 to index
      %swap3A_134 = arith.constant 256 : index
      %swap3A_135 = tpu.vector_load %arg6[%swap3A_133, %swap3A_134] {strides = array<i32>} : memref<32x2048xf32, #tpu.memory_space<vmem>>, vector<16xf32>,
      tpu.vector_store %arg6[%swap3A_133, %swap3A_134], %broadcast_in_dim3A_10 {strides = array<i32>} : memref<32x2048xf32, #tpu.memory_space<vmem>>, vector<16xf32>,
      %swap3A_136 = arith.index_cast %scan3A_84 : i32 to index
      %swap3A_137 = arith.constant 272 : index
      %swap3A_138 = tpu.vector_load %arg6[%swap3A_136, %swap3A_137] {strides = array<i32>} : memref<32x2048xf32, #tpu.memory_space<vmem>>, vector<16xf32>,
      tpu.vector_store %arg6[%swap3A_136, %swap3A_137], %broadcast_in_dim3A_10 {strides = array<i32>} : memref<32x2048xf32, #tpu.memory_space<vmem>>, vector<16xf32>,
      %swap3A_139 = arith.index_cast %scan3A_84 : i32 to index
      %swap3A_140 = arith.constant 288 : index
      %swap3A_141 = tpu.vector_load %arg6[%swap3A_139, %swap3A_140] {strides = array<i32>} : memref<32x2048xf32, #tpu.memory_space<vmem>>, vector<16xf32>,
      tpu.vector_store %arg6[%swap3A_139, %swap3A_140], %broadcast_in_dim3A_10 {strides = array<i32>} : memref<32x2048xf32, #tpu.memory_space<vmem>>, vector<16xf32>,
      %swap3A_142 = arith.index_cast %scan3A_84 : i32 to index
      %swap3A_143 = arith.constant 304 : index
      %swap3A_144 = tpu.vector_load %arg6[%swap3A_142, %swap3A_143] {strides = array<i32>} : memref<32x2048xf32, #tpu.memory_space<vmem>>, vector<16xf32>,
      tpu.vector_store %arg6[%swap3A_142, %swap3A_143], %broadcast_in_dim3A_10 {strides = array<i32>} : memref<32x2048xf32, #tpu.memory_space<vmem>>, vector<16xf32>,
      %swap3A_145 = arith.index_cast %scan3A_84 : i32 to index
      %swap3A_146 = arith.constant 320 : index
      %swap3A_147 = tpu.vector_load %arg6[%swap3A_145, %swap3A_146] {strides = array<i32>} : memref<32x2048xf32, #tpu.memory_space<vmem>>, vector<16xf32>,
      tpu.vector_store %arg6[%swap3A_145, %swap3A_146], %broadcast_in_dim3A_10 {strides = array<i32>} : memref<32x2048xf32, #tpu.memory_space<vmem>>, vector<16xf32>,
      %swap3A_148 = arith.index_cast %scan3A_84 : i32 to index
      %swap3A_149 = arith.constant 336 : index
      %swap3A_150 = tpu.vector_load %arg6[%swap3A_148, %swap3A_149] {strides = array<i32>} : memref<32x2048xf32, #tpu.memory_space<vmem>>, vector<16xf32>,
      tpu.vector_store %arg6[%swap3A_148, %swap3A_149], %broadcast_in_dim3A_10 {strides = array<i32>} : memref<32x2048xf32, #tpu.memory_space<vmem>>, vector<16xf32>,
      %swap3A_151 = arith.index_cast %scan3A_84 : i32 to index
      %swap3A_152 = arith.constant 352 : index
      %swap3A_153 = tpu.vector_load %arg6[%swap3A_151, %swap3A_152] {strides = array<i32>} : memref<32x2048xf32, #tpu.memory_space<vmem>>, vector<16xf32>,
      tpu.vector_store %arg6[%swap3A_151, %swap3A_152], %broadcast_in_dim3A_10 {strides = array<i32>} : memref<32x2048xf32, #tpu.memory_space<vmem>>, vector<16xf32>,
      %swap3A_154 = arith.index_cast %scan3A_84 : i32 to index
      %swap3A_155 = arith.constant 368 : index
      %swap3A_156 = tpu.vector_load %arg6[%swap3A_154, %swap3A_155] {strides = array<i32>} : memref<32x2048xf32, #tpu.memory_space<vmem>>, vector<16xf32>,
      tpu.vector_store %arg6[%swap3A_154, %swap3A_155], %broadcast_in_dim3A_10 {strides = array<i32>} : memref<32x2048xf32, #tpu.memory_space<vmem>>, vector<16xf32>,
      %swap3A_157 = arith.index_cast %scan3A_84 : i32 to index
      %swap3A_158 = arith.constant 384 : index
      %swap3A_159 = tpu.vector_load %arg6[%swap3A_157, %swap3A_158] {strides = array<i32>} : memref<32x2048xf32, #tpu.memory_space<vmem>>, vector<16xf32>,
      tpu.vector_store %arg6[%swap3A_157, %swap3A_158], %broadcast_in_dim3A_10 {strides = array<i32>} : memref<32x2048xf32, #tpu.memory_space<vmem>>, vector<16xf32>,
      %swap3A_160 = arith.index_cast %scan3A_84 : i32 to index
      %swap3A_161 = arith.constant 400 : index
      %swap3A_162 = tpu.vector_load %arg6[%swap3A_160, %swap3A_161] {strides = array<i32>} : memref<32x2048xf32, #tpu.memory_space<vmem>>, vector<16xf32>,
      tpu.vector_store %arg6[%swap3A_160, %swap3A_161], %broadcast_in_dim3A_10 {strides = array<i32>} : memref<32x2048xf32, #tpu.memory_space<vmem>>, vector<16xf32>,
      %swap3A_163 = arith.index_cast %scan3A_84 : i32 to index
      %swap3A_164 = arith.constant 416 : index
      %swap3A_165 = tpu.vector_load %arg6[%swap3A_163, %swap3A_164] {strides = array<i32>} : memref<32x2048xf32, #tpu.memory_space<vmem>>, vector<16xf32>,
      tpu.vector_store %arg6[%swap3A_163, %swap3A_164], %broadcast_in_dim3A_10 {strides = array<i32>} : memref<32x2048xf32, #tpu.memory_space<vmem>>, vector<16xf32>,
      %swap3A_166 = arith.index_cast %scan3A_84 : i32 to index
      %swap3A_167 = arith.constant 432 : index
      %swap3A_168 = tpu.vector_load %arg6[%swap3A_166, %swap3A_167] {strides = array<i32>} : memref<32x2048xf32, #tpu.memory_space<vmem>>, vector<16xf32>,
      tpu.vector_store %arg6[%swap3A_166, %swap3A_167], %broadcast_in_dim3A_10 {strides = array<i32>} : memref<32x2048xf32, #tpu.memory_space<vmem>>, vector<16xf32>,
      %swap3A_169 = arith.index_cast %scan3A_84 : i32 to index
      %swap3A_170 = arith.constant 448 : index
      %swap3A_171 = tpu.vector_load %arg6[%swap3A_169, %swap3A_170] {strides = array<i32>} : memref<32x2048xf32, #tpu.memory_space<vmem>>, vector<16xf32>,
      tpu.vector_store %arg6[%swap3A_169, %swap3A_170], %broadcast_in_dim3A_10 {strides = array<i32>} : memref<32x2048xf32, #tpu.memory_space<vmem>>, vector<16xf32>,
      %swap3A_172 = arith.index_cast %scan3A_84 : i32 to index
      %swap3A_173 = arith.constant 464 : index
      %swap3A_174 = tpu.vector_load %arg6[%swap3A_172, %swap3A_173] {strides = array<i32>} : memref<32x2048xf32, #tpu.memory_space<vmem>>, vector<16xf32>,
      tpu.vector_store %arg6[%swap3A_172, %swap3A_173], %broadcast_in_dim3A_10 {strides = array<i32>} : memref<32x2048xf32, #tpu.memory_space<vmem>>, vector<16xf32>,
      %swap3A_175 = arith.index_cast %scan3A_84 : i32 to index
      %swap3A_176 = arith.constant 480 : index
      %swap3A_177 = tpu.vector_load %arg6[%swap3A_175, %swap3A_176] {strides = array<i32>} : memref<32x2048xf32, #tpu.memory_space<vmem>>, vector<16xf32>,
      tpu.vector_store %arg6[%swap3A_175, %swap3A_176], %broadcast_in_dim3A_10 {strides = array<i32>} : memref<32x2048xf32, #tpu.memory_space<vmem>>, vector<16xf32>,
      %swap3A_178 = arith.index_cast %scan3A_84 : i32 to index
      %swap3A_179 = arith.constant 496 : index
      %swap3A_180 = tpu.vector_load %arg6[%swap3A_178, %swap3A_179] {strides = array<i32>} : memref<32x2048xf32, #tpu.memory_space<vmem>>, vector<16xf32>,
      tpu.vector_store %arg6[%swap3A_178, %swap3A_179], %broadcast_in_dim3A_10 {strides = array<i32>} : memref<32x2048xf32, #tpu.memory_space<vmem>>, vector<16xf32>,
      %swap3A_181 = arith.index_cast %scan3A_84 : i32 to index
      %swap3A_182 = arith.constant 512 : index
      %swap3A_183 = tpu.vector_load %arg6[%swap3A_181, %swap3A_182] {strides = array<i32>} : memref<32x2048xf32, #tpu.memory_space<vmem>>, vector<16xf32>,
      tpu.vector_store %arg6[%swap3A_181, %swap3A_182], %broadcast_in_dim3A_10 {strides = array<i32>} : memref<32x2048xf32, #tpu.memory_space<vmem>>, vector<16xf32>,
      %swap3A_184 = arith.index_cast %scan3A_84 : i32 to index
      %swap3A_185 = arith.constant 528 : index
      %swap3A_186 = tpu.vector_load %arg6[%swap3A_184, %swap3A_185] {strides = array<i32>} : memref<32x2048xf32, #tpu.memory_space<vmem>>, vector<16xf32>,
      tpu.vector_store %arg6[%swap3A_184, %swap3A_185], %broadcast_in_dim3A_10 {strides = array<i32>} : memref<32x2048xf32, #tpu.memory_space<vmem>>, vector<16xf32>,
      %swap3A_187 = arith.index_cast %scan3A_84 : i32 to index
      %swap3A_188 = arith.constant 544 : index
      %swap3A_189 = tpu.vector_load %arg6[%swap3A_187, %swap3A_188] {strides = array<i32>} : memref<32x2048xf32, #tpu.memory_space<vmem>>, vector<16xf32>,
      tpu.vector_store %arg6[%swap3A_187, %swap3A_188], %broadcast_in_dim3A_10 {strides = array<i32>} : memref<32x2048xf32, #tpu.memory_space<vmem>>, vector<16xf32>,
      %swap3A_190 = arith.index_cast %scan3A_84 : i32 to index
      %swap3A_191 = arith.constant 560 : index
      %swap3A_192 = tpu.vector_load %arg6[%swap3A_190, %swap3A_191] {strides = array<i32>} : memref<32x2048xf32, #tpu.memory_space<vmem>>, vector<16xf32>,
      tpu.vector_store %arg6[%swap3A_190, %swap3A_191], %broadcast_in_dim3A_10 {strides = array<i32>} : memref<32x2048xf32, #tpu.memory_space<vmem>>, vector<16xf32>,
      %swap3A_193 = arith.index_cast %scan3A_84 : i32 to index
      %swap3A_194 = arith.constant 576 : index
      %swap3A_195 = tpu.vector_load %arg6[%swap3A_193, %swap3A_194] {strides = array<i32>} : memref<32x2048xf32, #tpu.memory_space<vmem>>, vector<16xf32>,
      tpu.vector_store %arg6[%swap3A_193, %swap3A_194], %broadcast_in_dim3A_10 {strides = array<i32>} : memref<32x2048xf32, #tpu.memory_space<vmem>>, vector<16xf32>,
      %swap3A_196 = arith.index_cast %scan3A_84 : i32 to index
      %swap3A_197 = arith.constant 592 : index
      %swap3A_198 = tpu.vector_load %arg6[%swap3A_196, %swap3A_197] {strides = array<i32>} : memref<32x2048xf32, #tpu.memory_space<vmem>>, vector<16xf32>,
      tpu.vector_store %arg6[%swap3A_196, %swap3A_197], %broadcast_in_dim3A_10 {strides = array<i32>} : memref<32x2048xf32, #tpu.memory_space<vmem>>, vector<16xf32>,
      %swap3A_199 = arith.index_cast %scan3A_84 : i32 to index
      %swap3A_200 = arith.constant 608 : index
      %swap3A_201 = tpu.vector_load %arg6[%swap3A_199, %swap3A_200] {strides = array<i32>} : memref<32x2048xf32, #tpu.memory_space<vmem>>, vector<16xf32>,
      tpu.vector_store %arg6[%swap3A_199, %swap3A_200], %broadcast_in_dim3A_10 {strides = array<i32>} : memref<32x2048xf32, #tpu.memory_space<vmem>>, vector<16xf32>,
      %swap3A_202 = arith.index_cast %scan3A_84 : i32 to index
      %swap3A_203 = arith.constant 624 : index
      %swap3A_204 = tpu.vector_load %arg6[%swap3A_202, %swap3A_203] {strides = array<i32>} : memref<32x2048xf32, #tpu.memory_space<vmem>>, vector<16xf32>,
      tpu.vector_store %arg6[%swap3A_202, %swap3A_203], %broadcast_in_dim3A_10 {strides = array<i32>} : memref<32x2048xf32, #tpu.memory_space<vmem>>, vector<16xf32>,
      %swap3A_205 = arith.index_cast %scan3A_84 : i32 to index
      %swap3A_206 = arith.constant 640 : index
      %swap3A_207 = tpu.vector_load %arg6[%swap3A_205, %swap3A_206] {strides = array<i32>} : memref<32x2048xf32, #tpu.memory_space<vmem>>, vector<16xf32>,
      tpu.vector_store %arg6[%swap3A_205, %swap3A_206], %broadcast_in_dim3A_10 {strides = array<i32>} : memref<32x2048xf32, #tpu.memory_space<vmem>>, vector<16xf32>,
      %swap3A_208 = arith.index_cast %scan3A_84 : i32 to index
      %swap3A_209 = arith.constant 656 : index
      %swap3A_210 = tpu.vector_load %arg6[%swap3A_208, %swap3A_209] {strides = array<i32>} : memref<32x2048xf32, #tpu.memory_space<vmem>>, vector<16xf32>,
      tpu.vector_store %arg6[%swap3A_208, %swap3A_209], %broadcast_in_dim3A_10 {strides = array<i32>} : memref<32x2048xf32, #tpu.memory_space<vmem>>, vector<16xf32>,
      %swap3A_211 = arith.index_cast %scan3A_84 : i32 to index
      %swap3A_212 = arith.constant 672 : index
      %swap3A_213 = tpu.vector_load %arg6[%swap3A_211, %swap3A_212] {strides = array<i32>} : memref<32x2048xf32, #tpu.memory_space<vmem>>, vector<16xf32>,
      tpu.vector_store %arg6[%swap3A_211, %swap3A_212], %broadcast_in_dim3A_10 {strides = array<i32>} : memref<32x2048xf32, #tpu.memory_space<vmem>>, vector<16xf32>,
      %swap3A_214 = arith.index_cast %scan3A_84 : i32 to index
      %swap3A_215 = arith.constant 688 : index
      %swap3A_216 = tpu.vector_load %arg6[%swap3A_214, %swap3A_215] {strides = array<i32>} : memref<32x2048xf32, #tpu.memory_space<vmem>>, vector<16xf32>,
      tpu.vector_store %arg6[%swap3A_214, %swap3A_215], %broadcast_in_dim3A_10 {strides = array<i32>} : memref<32x2048xf32, #tpu.memory_space<vmem>>, vector<16xf32>,
      %swap3A_217 = arith.index_cast %scan3A_84 : i32 to index
      %swap3A_218 = arith.constant 704 : index
      %swap3A_219 = tpu.vector_load %arg6[%swap3A_217, %swap3A_218] {strides = array<i32>} : memref<32x2048xf32, #tpu.memory_space<vmem>>, vector<16xf32>,
      tpu.vector_store %arg6[%swap3A_217, %swap3A_218], %broadcast_in_dim3A_10 {strides = array<i32>} : memref<32x2048xf32, #tpu.memory_space<vmem>>, vector<16xf32>,
      %swap3A_220 = arith.index_cast %scan3A_84 : i32 to index
      %swap3A_221 = arith.constant 720 : index
      %swap3A_222 = tpu.vector_load %arg6[%swap3A_220, %swap3A_221] {strides = array<i32>} : memref<32x2048xf32, #tpu.memory_space<vmem>>, vector<16xf32>,
      tpu.vector_store %arg6[%swap3A_220, %swap3A_221], %broadcast_in_dim3A_10 {strides = array<i32>} : memref<32x2048xf32, #tpu.memory_space<vmem>>, vector<16xf32>,
      %swap3A_223 = arith.index_cast %scan3A_84 : i32 to index
      %swap3A_224 = arith.constant 736 : index
      %swap3A_225 = tpu.vector_load %arg6[%swap3A_223, %swap3A_224] {strides = array<i32>} : memref<32x2048xf32, #tpu.memory_space<vmem>>, vector<16xf32>,
      tpu.vector_store %arg6[%swap3A_223, %swap3A_224], %broadcast_in_dim3A_10 {strides = array<i32>} : memref<32x2048xf32, #tpu.memory_space<vmem>>, vector<16xf32>,
      %swap3A_226 = arith.index_cast %scan3A_84 : i32 to index
      %swap3A_227 = arith.constant 752 : index
      %swap3A_228 = tpu.vector_load %arg6[%swap3A_226, %swap3A_227] {strides = array<i32>} : memref<32x2048xf32, #tpu.memory_space<vmem>>, vector<16xf32>,
      tpu.vector_store %arg6[%swap3A_226, %swap3A_227], %broadcast_in_dim3A_10 {strides = array<i32>} : memref<32x2048xf32, #tpu.memory_space<vmem>>, vector<16xf32>,
      %swap3A_229 = arith.index_cast %scan3A_84 : i32 to index
      %swap3A_230 = arith.constant 768 : index
      %swap3A_231 = tpu.vector_load %arg6[%swap3A_229, %swap3A_230] {strides = array<i32>} : memref<32x2048xf32, #tpu.memory_space<vmem>>, vector<16xf32>,
      tpu.vector_store %arg6[%swap3A_229, %swap3A_230], %broadcast_in_dim3A_10 {strides = array<i32>} : memref<32x2048xf32, #tpu.memory_space<vmem>>, vector<16xf32>,
      %swap3A_232 = arith.index_cast %scan3A_84 : i32 to index
      %swap3A_233 = arith.constant 784 : index
      %swap3A_234 = tpu.vector_load %arg6[%swap3A_232, %swap3A_233] {strides = array<i32>} : memref<32x2048xf32, #tpu.memory_space<vmem>>, vector<16xf32>,
      tpu.vector_store %arg6[%swap3A_232, %swap3A_233], %broadcast_in_dim3A_10 {strides = array<i32>} : memref<32x2048xf32, #tpu.memory_space<vmem>>, vector<16xf32>,
      %swap3A_235 = arith.index_cast %scan3A_84 : i32 to index
      %swap3A_236 = arith.constant 800 : index
      %swap3A_237 = tpu.vector_load %arg6[%swap3A_235, %swap3A_236] {strides = array<i32>} : memref<32x2048xf32, #tpu.memory_space<vmem>>, vector<16xf32>,
      tpu.vector_store %arg6[%swap3A_235, %swap3A_236], %broadcast_in_dim3A_10 {strides = array<i32>} : memref<32x2048xf32, #tpu.memory_space<vmem>>, vector<16xf32>,
      %swap3A_238 = arith.index_cast %scan3A_84 : i32 to index
      %swap3A_239 = arith.constant 816 : index
      %swap3A_240 = tpu.vector_load %arg6[%swap3A_238, %swap3A_239] {strides = array<i32>} : memref<32x2048xf32, #tpu.memory_space<vmem>>, vector<16xf32>,
      tpu.vector_store %arg6[%swap3A_238, %swap3A_239], %broadcast_in_dim3A_10 {strides = array<i32>} : memref<32x2048xf32, #tpu.memory_space<vmem>>, vector<16xf32>,
      %swap3A_241 = arith.index_cast %scan3A_84 : i32 to index
      %swap3A_242 = arith.constant 832 : index
      %swap3A_243 = tpu.vector_load %arg6[%swap3A_241, %swap3A_242] {strides = array<i32>} : memref<32x2048xf32, #tpu.memory_space<vmem>>, vector<16xf32>,
      tpu.vector_store %arg6[%swap3A_241, %swap3A_242], %broadcast_in_dim3A_10 {strides = array<i32>} : memref<32x2048xf32, #tpu.memory_space<vmem>>, vector<16xf32>,
      %swap3A_244 = arith.index_cast %scan3A_84 : i32 to index
      %swap3A_245 = arith.constant 848 : index
      %swap3A_246 = tpu.vector_load %arg6[%swap3A_244, %swap3A_245] {strides = array<i32>} : memref<32x2048xf32, #tpu.memory_space<vmem>>, vector<16xf32>,
      tpu.vector_store %arg6[%swap3A_244, %swap3A_245], %broadcast_in_dim3A_10 {strides = array<i32>} : memref<32x2048xf32, #tpu.memory_space<vmem>>, vector<16xf32>,
      %swap3A_247 = arith.index_cast %scan3A_84 : i32 to index
      %swap3A_248 = arith.constant 864 : index
      %swap3A_249 = tpu.vector_load %arg6[%swap3A_247, %swap3A_248] {strides = array<i32>} : memref<32x2048xf32, #tpu.memory_space<vmem>>, vector<16xf32>,
      tpu.vector_store %arg6[%swap3A_247, %swap3A_248], %broadcast_in_dim3A_10 {strides = array<i32>} : memref<32x2048xf32, #tpu.memory_space<vmem>>, vector<16xf32>,
      %swap3A_250 = arith.index_cast %scan3A_84 : i32 to index
      %swap3A_251 = arith.constant 880 : index
      %swap3A_252 = tpu.vector_load %arg6[%swap3A_250, %swap3A_251] {strides = array<i32>} : memref<32x2048xf32, #tpu.memory_space<vmem>>, vector<16xf32>,
      tpu.vector_store %arg6[%swap3A_250, %swap3A_251], %broadcast_in_dim3A_10 {strides = array<i32>} : memref<32x2048xf32, #tpu.memory_space<vmem>>, vector<16xf32>,
      %swap3A_253 = arith.index_cast %scan3A_84 : i32 to index
      %swap3A_254 = arith.constant 896 : index
      %swap3A_255 = tpu.vector_load %arg6[%swap3A_253, %swap3A_254] {strides = array<i32>} : memref<32x2048xf32, #tpu.memory_space<vmem>>, vector<16xf32>,
      tpu.vector_store %arg6[%swap3A_253, %swap3A_254], %broadcast_in_dim3A_10 {strides = array<i32>} : memref<32x2048xf32, #tpu.memory_space<vmem>>, vector<16xf32>,
      %swap3A_256 = arith.index_cast %scan3A_84 : i32 to index
      %swap3A_257 = arith.constant 912 : index
      %swap3A_258 = tpu.vector_load %arg6[%swap3A_256, %swap3A_257] {strides = array<i32>} : memref<32x2048xf32, #tpu.memory_space<vmem>>, vector<16xf32>,
      tpu.vector_store %arg6[%swap3A_256, %swap3A_257], %broadcast_in_dim3A_10 {strides = array<i32>} : memref<32x2048xf32, #tpu.memory_space<vmem>>, vector<16xf32>,
      %swap3A_259 = arith.index_cast %scan3A_84 : i32 to index
      %swap3A_260 = arith.constant 928 : index
      %swap3A_261 = tpu.vector_load %arg6[%swap3A_259, %swap3A_260] {strides = array<i32>} : memref<32x2048xf32, #tpu.memory_space<vmem>>, vector<16xf32>,
      tpu.vector_store %arg6[%swap3A_259, %swap3A_260], %broadcast_in_dim3A_10 {strides = array<i32>} : memref<32x2048xf32, #tpu.memory_space<vmem>>, vector<16xf32>,
      %swap3A_262 = arith.index_cast %scan3A_84 : i32 to index
      %swap3A_263 = arith.constant 944 : index
      %swap3A_264 = tpu.vector_load %arg6[%swap3A_262, %swap3A_263] {strides = array<i32>} : memref<32x2048xf32, #tpu.memory_space<vmem>>, vector<16xf32>,
      tpu.vector_store %arg6[%swap3A_262, %swap3A_263], %broadcast_in_dim3A_10 {strides = array<i32>} : memref<32x2048xf32, #tpu.memory_space<vmem>>, vector<16xf32>,
      %swap3A_265 = arith.index_cast %scan3A_84 : i32 to index
      %swap3A_266 = arith.constant 960 : index
      %swap3A_267 = tpu.vector_load %arg6[%swap3A_265, %swap3A_266] {strides = array<i32>} : memref<32x2048xf32, #tpu.memory_space<vmem>>, vector<16xf32>,
      tpu.vector_store %arg6[%swap3A_265, %swap3A_266], %broadcast_in_dim3A_10 {strides = array<i32>} : memref<32x2048xf32, #tpu.memory_space<vmem>>, vector<16xf32>,
      %swap3A_268 = arith.index_cast %scan3A_84 : i32 to index
      %swap3A_269 = arith.constant 976 : index
      %swap3A_270 = tpu.vector_load %arg6[%swap3A_268, %swap3A_269] {strides = array<i32>} : memref<32x2048xf32, #tpu.memory_space<vmem>>, vector<16xf32>,
      tpu.vector_store %arg6[%swap3A_268, %swap3A_269], %broadcast_in_dim3A_10 {strides = array<i32>} : memref<32x2048xf32, #tpu.memory_space<vmem>>, vector<16xf32>,
      %swap3A_271 = arith.index_cast %scan3A_84 : i32 to index
      %swap3A_272 = arith.constant 992 : index
      %swap3A_273 = tpu.vector_load %arg6[%swap3A_271, %swap3A_272] {strides = array<i32>} : memref<32x2048xf32, #tpu.memory_space<vmem>>, vector<16xf32>,
      tpu.vector_store %arg6[%swap3A_271, %swap3A_272], %broadcast_in_dim3A_10 {strides = array<i32>} : memref<32x2048xf32, #tpu.memory_space<vmem>>, vector<16xf32>,
      %swap3A_274 = arith.index_cast %scan3A_84 : i32 to index
      %swap3A_275 = arith.constant 1008 : index
      %swap3A_276 = tpu.vector_load %arg6[%swap3A_274, %swap3A_275] {strides = array<i32>} : memref<32x2048xf32, #tpu.memory_space<vmem>>, vector<16xf32>,
      tpu.vector_store %arg6[%swap3A_274, %swap3A_275], %broadcast_in_dim3A_10 {strides = array<i32>} : memref<32x2048xf32, #tpu.memory_space<vmem>>, vector<16xf32>,
      %swap3A_277 = arith.index_cast %scan3A_84 : i32 to index
      %swap3A_278 = arith.constant 1024 : index
      %swap3A_279 = tpu.vector_load %arg6[%swap3A_277, %swap3A_278] {strides = array<i32>} : memref<32x2048xf32, #tpu.memory_space<vmem>>, vector<16xf32>,
      tpu.vector_store %arg6[%swap3A_277, %swap3A_278], %broadcast_in_dim3A_10 {strides = array<i32>} : memref<32x2048xf32, #tpu.memory_space<vmem>>, vector<16xf32>,
      %swap3A_280 = arith.index_cast %scan3A_84 : i32 to index
      %swap3A_281 = arith.constant 1040 : index
      %swap3A_282 = tpu.vector_load %arg6[%swap3A_280, %swap3A_281] {strides = array<i32>} : memref<32x2048xf32, #tpu.memory_space<vmem>>, vector<16xf32>,
      tpu.vector_store %arg6[%swap3A_280, %swap3A_281], %broadcast_in_dim3A_10 {strides = array<i32>} : memref<32x2048xf32, #tpu.memory_space<vmem>>, vector<16xf32>,
      %swap3A_283 = arith.index_cast %scan3A_84 : i32 to index
      %swap3A_284 = arith.constant 1056 : index
      %swap3A_285 = tpu.vector_load %arg6[%swap3A_283, %swap3A_284] {strides = array<i32>} : memref<32x2048xf32, #tpu.memory_space<vmem>>, vector<16xf32>,
      tpu.vector_store %arg6[%swap3A_283, %swap3A_284], %broadcast_in_dim3A_10 {strides = array<i32>} : memref<32x2048xf32, #tpu.memory_space<vmem>>, vector<16xf32>,
      %swap3A_286 = arith.index_cast %scan3A_84 : i32 to index
      %swap3A_287 = arith.constant 1072 : index
      %swap3A_288 = tpu.vector_load %arg6[%swap3A_286, %swap3A_287] {strides = array<i32>} : memref<32x2048xf32, #tpu.memory_space<vmem>>, vector<16xf32>,
      tpu.vector_store %arg6[%swap3A_286, %swap3A_287], %broadcast_in_dim3A_10 {strides = array<i32>} : memref<32x2048xf32, #tpu.memory_space<vmem>>, vector<16xf32>,
      %swap3A_289 = arith.index_cast %scan3A_84 : i32 to index
      %swap3A_290 = arith.constant 1088 : index
      %swap3A_291 = tpu.vector_load %arg6[%swap3A_289, %swap3A_290] {strides = array<i32>} : memref<32x2048xf32, #tpu.memory_space<vmem>>, vector<16xf32>,
      tpu.vector_store %arg6[%swap3A_289, %swap3A_290], %broadcast_in_dim3A_10 {strides = array<i32>} : memref<32x2048xf32, #tpu.memory_space<vmem>>, vector<16xf32>,
      %swap3A_292 = arith.index_cast %scan3A_84 : i32 to index
      %swap3A_293 = arith.constant 1104 : index
      %swap3A_294 = tpu.vector_load %arg6[%swap3A_292, %swap3A_293] {strides = array<i32>} : memref<32x2048xf32, #tpu.memory_space<vmem>>, vector<16xf32>,
      tpu.vector_store %arg6[%swap3A_292, %swap3A_293], %broadcast_in_dim3A_10 {strides = array<i32>} : memref<32x2048xf32, #tpu.memory_space<vmem>>, vector<16xf32>,
      %swap3A_295 = arith.index_cast %scan3A_84 : i32 to index
      %swap3A_296 = arith.constant 1120 : index
      %swap3A_297 = tpu.vector_load %arg6[%swap3A_295, %swap3A_296] {strides = array<i32>} : memref<32x2048xf32, #tpu.memory_space<vmem>>, vector<16xf32>,
      tpu.vector_store %arg6[%swap3A_295, %swap3A_296], %broadcast_in_dim3A_10 {strides = array<i32>} : memref<32x2048xf32, #tpu.memory_space<vmem>>, vector<16xf32>,
      %swap3A_298 = arith.index_cast %scan3A_84 : i32 to index
      %swap3A_299 = arith.constant 1136 : index
      %swap3A_300 = tpu.vector_load %arg6[%swap3A_298, %swap3A_299] {strides = array<i32>} : memref<32x2048xf32, #tpu.memory_space<vmem>>, vector<16xf32>,
      tpu.vector_store %arg6[%swap3A_298, %swap3A_299], %broadcast_in_dim3A_10 {strides = array<i32>} : memref<32x2048xf32, #tpu.memory_space<vmem>>, vector<16xf32>,
      %swap3A_301 = arith.index_cast %scan3A_84 : i32 to index
      %swap3A_302 = arith.constant 1152 : index
      %swap3A_303 = tpu.vector_load %arg6[%swap3A_301, %swap3A_302] {strides = array<i32>} : memref<32x2048xf32, #tpu.memory_space<vmem>>, vector<16xf32>,
      tpu.vector_store %arg6[%swap3A_301, %swap3A_302], %broadcast_in_dim3A_10 {strides = array<i32>} : memref<32x2048xf32, #tpu.memory_space<vmem>>, vector<16xf32>,
      %swap3A_304 = arith.index_cast %scan3A_84 : i32 to index
      %swap3A_305 = arith.constant 1168 : index
      %swap3A_306 = tpu.vector_load %arg6[%swap3A_304, %swap3A_305] {strides = array<i32>} : memref<32x2048xf32, #tpu.memory_space<vmem>>, vector<16xf32>,
      tpu.vector_store %arg6[%swap3A_304, %swap3A_305], %broadcast_in_dim3A_10 {strides = array<i32>} : memref<32x2048xf32, #tpu.memory_space<vmem>>, vector<16xf32>,
      %swap3A_307 = arith.index_cast %scan3A_84 : i32 to index
      %swap3A_308 = arith.constant 1184 : index
      %swap3A_309 = tpu.vector_load %arg6[%swap3A_307, %swap3A_308] {strides = array<i32>} : memref<32x2048xf32, #tpu.memory_space<vmem>>, vector<16xf32>,
      tpu.vector_store %arg6[%swap3A_307, %swap3A_308], %broadcast_in_dim3A_10 {strides = array<i32>} : memref<32x2048xf32, #tpu.memory_space<vmem>>, vector<16xf32>,
      %swap3A_310 = arith.index_cast %scan3A_84 : i32 to index
      %swap3A_311 = arith.constant 1200 : index
      %swap3A_312 = tpu.vector_load %arg6[%swap3A_310, %swap3A_311] {strides = array<i32>} : memref<32x2048xf32, #tpu.memory_space<vmem>>, vector<16xf32>,
      tpu.vector_store %arg6[%swap3A_310, %swap3A_311], %broadcast_in_dim3A_10 {strides = array<i32>} : memref<32x2048xf32, #tpu.memory_space<vmem>>, vector<16xf32>,
      %swap3A_313 = arith.index_cast %scan3A_84 : i32 to index
      %swap3A_314 = arith.constant 1216 : index
      %swap3A_315 = tpu.vector_load %arg6[%swap3A_313, %swap3A_314] {strides = array<i32>} : memref<32x2048xf32, #tpu.memory_space<vmem>>, vector<16xf32>,
      tpu.vector_store %arg6[%swap3A_313, %swap3A_314], %broadcast_in_dim3A_10 {strides = array<i32>} : memref<32x2048xf32, #tpu.memory_space<vmem>>, vector<16xf32>,
      %swap3A_316 = arith.index_cast %scan3A_84 : i32 to index
      %swap3A_317 = arith.constant 1232 : index
      %swap3A_318 = tpu.vector_load %arg6[%swap3A_316, %swap3A_317] {strides = array<i32>} : memref<32x2048xf32, #tpu.memory_space<vmem>>, vector<16xf32>,
      tpu.vector_store %arg6[%swap3A_316, %swap3A_317], %broadcast_in_dim3A_10 {strides = array<i32>} : memref<32x2048xf32, #tpu.memory_space<vmem>>, vector<16xf32>,
      %swap3A_319 = arith.index_cast %scan3A_84 : i32 to index
      %swap3A_320 = arith.constant 1248 : index
      %swap3A_321 = tpu.vector_load %arg6[%swap3A_319, %swap3A_320] {strides = array<i32>} : memref<32x2048xf32, #tpu.memory_space<vmem>>, vector<16xf32>,
      tpu.vector_store %arg6[%swap3A_319, %swap3A_320], %broadcast_in_dim3A_10 {strides = array<i32>} : memref<32x2048xf32, #tpu.memory_space<vmem>>, vector<16xf32>,
      %swap3A_322 = arith.index_cast %scan3A_84 : i32 to index
      %swap3A_323 = arith.constant 1264 : index
      %swap3A_324 = tpu.vector_load %arg6[%swap3A_322, %swap3A_323] {strides = array<i32>} : memref<32x2048xf32, #tpu.memory_space<vmem>>, vector<16xf32>,
      tpu.vector_store %arg6[%swap3A_322, %swap3A_323], %broadcast_in_dim3A_10 {strides = array<i32>} : memref<32x2048xf32, #tpu.memory_space<vmem>>, vector<16xf32>,
      %swap3A_325 = arith.index_cast %scan3A_84 : i32 to index
      %swap3A_326 = arith.constant 1280 : index
      %swap3A_327 = tpu.vector_load %arg6[%swap3A_325, %swap3A_326] {strides = array<i32>} : memref<32x2048xf32, #tpu.memory_space<vmem>>, vector<16xf32>,
      tpu.vector_store %arg6[%swap3A_325, %swap3A_326], %broadcast_in_dim3A_10 {strides = array<i32>} : memref<32x2048xf32, #tpu.memory_space<vmem>>, vector<16xf32>,
      %swap3A_328 = arith.index_cast %scan3A_84 : i32 to index
      %swap3A_329 = arith.constant 1296 : index
      %swap3A_330 = tpu.vector_load %arg6[%swap3A_328, %swap3A_329] {strides = array<i32>} : memref<32x2048xf32, #tpu.memory_space<vmem>>, vector<16xf32>,
      tpu.vector_store %arg6[%swap3A_328, %swap3A_329], %broadcast_in_dim3A_10 {strides = array<i32>} : memref<32x2048xf32, #tpu.memory_space<vmem>>, vector<16xf32>,
      %swap3A_331 = arith.index_cast %scan3A_84 : i32 to index
      %swap3A_332 = arith.constant 1312 : index
      %swap3A_333 = tpu.vector_load %arg6[%swap3A_331, %swap3A_332] {strides = array<i32>} : memref<32x2048xf32, #tpu.memory_space<vmem>>, vector<16xf32>,
      tpu.vector_store %arg6[%swap3A_331, %swap3A_332], %broadcast_in_dim3A_10 {strides = array<i32>} : memref<32x2048xf32, #tpu.memory_space<vmem>>, vector<16xf32>,
      %swap3A_334 = arith.index_cast %scan3A_84 : i32 to index
      %swap3A_335 = arith.constant 1328 : index
      %swap3A_336 = tpu.vector_load %arg6[%swap3A_334, %swap3A_335] {strides = array<i32>} : memref<32x2048xf32, #tpu.memory_space<vmem>>, vector<16xf32>,
      tpu.vector_store %arg6[%swap3A_334, %swap3A_335], %broadcast_in_dim3A_10 {strides = array<i32>} : memref<32x2048xf32, #tpu.memory_space<vmem>>, vector<16xf32>,
      %swap3A_337 = arith.index_cast %scan3A_84 : i32 to index
      %swap3A_338 = arith.constant 1344 : index
      %swap3A_339 = tpu.vector_load %arg6[%swap3A_337, %swap3A_338] {strides = array<i32>} : memref<32x2048xf32, #tpu.memory_space<vmem>>, vector<16xf32>,
      tpu.vector_store %arg6[%swap3A_337, %swap3A_338], %broadcast_in_dim3A_10 {strides = array<i32>} : memref<32x2048xf32, #tpu.memory_space<vmem>>, vector<16xf32>,
      %swap3A_340 = arith.index_cast %scan3A_84 : i32 to index
      %swap3A_341 = arith.constant 1360 : index
      %swap3A_342 = tpu.vector_load %arg6[%swap3A_340, %swap3A_341] {strides = array<i32>} : memref<32x2048xf32, #tpu.memory_space<vmem>>, vector<16xf32>,
      tpu.vector_store %arg6[%swap3A_340, %swap3A_341], %broadcast_in_dim3A_10 {strides = array<i32>} : memref<32x2048xf32, #tpu.memory_space<vmem>>, vector<16xf32>,
      %swap3A_343 = arith.index_cast %scan3A_84 : i32 to index
      %swap3A_344 = arith.constant 1376 : index
      %swap3A_345 = tpu.vector_load %arg6[%swap3A_343, %swap3A_344] {strides = array<i32>} : memref<32x2048xf32, #tpu.memory_space<vmem>>, vector<16xf32>,
      tpu.vector_store %arg6[%swap3A_343, %swap3A_344], %broadcast_in_dim3A_10 {strides = array<i32>} : memref<32x2048xf32, #tpu.memory_space<vmem>>, vector<16xf32>,
      %swap3A_346 = arith.index_cast %scan3A_84 : i32 to index
      %swap3A_347 = arith.constant 1392 : index
      %swap3A_348 = tpu.vector_load %arg6[%swap3A_346, %swap3A_347] {strides = array<i32>} : memref<32x2048xf32, #tpu.memory_space<vmem>>, vector<16xf32>,
      tpu.vector_store %arg6[%swap3A_346, %swap3A_347], %broadcast_in_dim3A_10 {strides = array<i32>} : memref<32x2048xf32, #tpu.memory_space<vmem>>, vector<16xf32>,
      %swap3A_349 = arith.index_cast %scan3A_84 : i32 to index
      %swap3A_350 = arith.constant 1408 : index
      %swap3A_351 = tpu.vector_load %arg6[%swap3A_349, %swap3A_350] {strides = array<i32>} : memref<32x2048xf32, #tpu.memory_space<vmem>>, vector<16xf32>,
      tpu.vector_store %arg6[%swap3A_349, %swap3A_350], %broadcast_in_dim3A_10 {strides = array<i32>} : memref<32x2048xf32, #tpu.memory_space<vmem>>, vector<16xf32>,
      %swap3A_352 = arith.index_cast %scan3A_84 : i32 to index
      %swap3A_353 = arith.constant 1424 : index
      %swap3A_354 = tpu.vector_load %arg6[%swap3A_352, %swap3A_353] {strides = array<i32>} : memref<32x2048xf32, #tpu.memory_space<vmem>>, vector<16xf32>,
      tpu.vector_store %arg6[%swap3A_352, %swap3A_353], %broadcast_in_dim3A_10 {strides = array<i32>} : memref<32x2048xf32, #tpu.memory_space<vmem>>, vector<16xf32>,
      %swap3A_355 = arith.index_cast %scan3A_84 : i32 to index
      %swap3A_356 = arith.constant 1440 : index
      %swap3A_357 = tpu.vector_load %arg6[%swap3A_355, %swap3A_356] {strides = array<i32>} : memref<32x2048xf32, #tpu.memory_space<vmem>>, vector<16xf32>,
      tpu.vector_store %arg6[%swap3A_355, %swap3A_356], %broadcast_in_dim3A_10 {strides = array<i32>} : memref<32x2048xf32, #tpu.memory_space<vmem>>, vector<16xf32>,
      %swap3A_358 = arith.index_cast %scan3A_84 : i32 to index
      %swap3A_359 = arith.constant 1456 : index
      %swap3A_360 = tpu.vector_load %arg6[%swap3A_358, %swap3A_359] {strides = array<i32>} : memref<32x2048xf32, #tpu.memory_space<vmem>>, vector<16xf32>,
      tpu.vector_store %arg6[%swap3A_358, %swap3A_359], %broadcast_in_dim3A_10 {strides = array<i32>} : memref<32x2048xf32, #tpu.memory_space<vmem>>, vector<16xf32>,
      %swap3A_361 = arith.index_cast %scan3A_84 : i32 to index
      %swap3A_362 = arith.constant 1472 : index
      %swap3A_363 = tpu.vector_load %arg6[%swap3A_361, %swap3A_362] {strides = array<i32>} : memref<32x2048xf32, #tpu.memory_space<vmem>>, vector<16xf32>,
      tpu.vector_store %arg6[%swap3A_361, %swap3A_362], %broadcast_in_dim3A_10 {strides = array<i32>} : memref<32x2048xf32, #tpu.memory_space<vmem>>, vector<16xf32>,
      %swap3A_364 = arith.index_cast %scan3A_84 : i32 to index
      %swap3A_365 = arith.constant 1488 : index
      %swap3A_366 = tpu.vector_load %arg6[%swap3A_364, %swap3A_365] {strides = array<i32>} : memref<32x2048xf32, #tpu.memory_space<vmem>>, vector<16xf32>,
      tpu.vector_store %arg6[%swap3A_364, %swap3A_365], %broadcast_in_dim3A_10 {strides = array<i32>} : memref<32x2048xf32, #tpu.memory_space<vmem>>, vector<16xf32>,
      %swap3A_367 = arith.index_cast %scan3A_84 : i32 to index
      %swap3A_368 = arith.constant 1504 : index
      %swap3A_369 = tpu.vector_load %arg6[%swap3A_367, %swap3A_368] {strides = array<i32>} : memref<32x2048xf32, #tpu.memory_space<vmem>>, vector<16xf32>,
      tpu.vector_store %arg6[%swap3A_367, %swap3A_368], %broadcast_in_dim3A_10 {strides = array<i32>} : memref<32x2048xf32, #tpu.memory_space<vmem>>, vector<16xf32>,
      %swap3A_370 = arith.index_cast %scan3A_84 : i32 to index
      %swap3A_371 = arith.constant 1520 : index
      %swap3A_372 = tpu.vector_load %arg6[%swap3A_370, %swap3A_371] {strides = array<i32>} : memref<32x2048xf32, #tpu.memory_space<vmem>>, vector<16xf32>,
      tpu.vector_store %arg6[%swap3A_370, %swap3A_371], %broadcast_in_dim3A_10 {strides = array<i32>} : memref<32x2048xf32, #tpu.memory_space<vmem>>, vector<16xf32>,
      %swap3A_373 = arith.index_cast %scan3A_84 : i32 to index
      %swap3A_374 = arith.constant 1536 : index
      %swap3A_375 = tpu.vector_load %arg6[%swap3A_373, %swap3A_374] {strides = array<i32>} : memref<32x2048xf32, #tpu.memory_space<vmem>>, vector<16xf32>,
      tpu.vector_store %arg6[%swap3A_373, %swap3A_374], %broadcast_in_dim3A_10 {strides = array<i32>} : memref<32x2048xf32, #tpu.memory_space<vmem>>, vector<16xf32>,
      %swap3A_376 = arith.index_cast %scan3A_84 : i32 to index
      %swap3A_377 = arith.constant 1552 : index
      %swap3A_378 = tpu.vector_load %arg6[%swap3A_376, %swap3A_377] {strides = array<i32>} : memref<32x2048xf32, #tpu.memory_space<vmem>>, vector<16xf32>,
      tpu.vector_store %arg6[%swap3A_376, %swap3A_377], %broadcast_in_dim3A_10 {strides = array<i32>} : memref<32x2048xf32, #tpu.memory_space<vmem>>, vector<16xf32>,
      %swap3A_379 = arith.index_cast %scan3A_84 : i32 to index
      %swap3A_380 = arith.constant 1568 : index
      %swap3A_381 = tpu.vector_load %arg6[%swap3A_379, %swap3A_380] {strides = array<i32>} : memref<32x2048xf32, #tpu.memory_space<vmem>>, vector<16xf32>,
      tpu.vector_store %arg6[%swap3A_379, %swap3A_380], %broadcast_in_dim3A_10 {strides = array<i32>} : memref<32x2048xf32, #tpu.memory_space<vmem>>, vector<16xf32>,
      %swap3A_382 = arith.index_cast %scan3A_84 : i32 to index
      %swap3A_383 = arith.constant 1584 : index
      %swap3A_384 = tpu.vector_load %arg6[%swap3A_382, %swap3A_383] {strides = array<i32>} : memref<32x2048xf32, #tpu.memory_space<vmem>>, vector<16xf32>,
      tpu.vector_store %arg6[%swap3A_382, %swap3A_383], %broadcast_in_dim3A_10 {strides = array<i32>} : memref<32x2048xf32, #tpu.memory_space<vmem>>, vector<16xf32>,
      %swap3A_385 = arith.index_cast %scan3A_84 : i32 to index
      %swap3A_386 = arith.constant 1600 : index
      %swap3A_387 = tpu.vector_load %arg6[%swap3A_385, %swap3A_386] {strides = array<i32>} : memref<32x2048xf32, #tpu.memory_space<vmem>>, vector<16xf32>,
      tpu.vector_store %arg6[%swap3A_385, %swap3A_386], %broadcast_in_dim3A_10 {strides = array<i32>} : memref<32x2048xf32, #tpu.memory_space<vmem>>, vector<16xf32>,
      %swap3A_388 = arith.index_cast %scan3A_84 : i32 to index
      %swap3A_389 = arith.constant 1616 : index
      %swap3A_390 = tpu.vector_load %arg6[%swap3A_388, %swap3A_389] {strides = array<i32>} : memref<32x2048xf32, #tpu.memory_space<vmem>>, vector<16xf32>,
      tpu.vector_store %arg6[%swap3A_388, %swap3A_389], %broadcast_in_dim3A_10 {strides = array<i32>} : memref<32x2048xf32, #tpu.memory_space<vmem>>, vector<16xf32>,
      %swap3A_391 = arith.index_cast %scan3A_84 : i32 to index
      %swap3A_392 = arith.constant 1632 : index
      %swap3A_393 = tpu.vector_load %arg6[%swap3A_391, %swap3A_392] {strides = array<i32>} : memref<32x2048xf32, #tpu.memory_space<vmem>>, vector<16xf32>,
      tpu.vector_store %arg6[%swap3A_391, %swap3A_392], %broadcast_in_dim3A_10 {strides = array<i32>} : memref<32x2048xf32, #tpu.memory_space<vmem>>, vector<16xf32>,
      %swap3A_394 = arith.index_cast %scan3A_84 : i32 to index
      %swap3A_395 = arith.constant 1648 : index
      %swap3A_396 = tpu.vector_load %arg6[%swap3A_394, %swap3A_395] {strides = array<i32>} : memref<32x2048xf32, #tpu.memory_space<vmem>>, vector<16xf32>,
      tpu.vector_store %arg6[%swap3A_394, %swap3A_395], %broadcast_in_dim3A_10 {strides = array<i32>} : memref<32x2048xf32, #tpu.memory_space<vmem>>, vector<16xf32>,
      %swap3A_397 = arith.index_cast %scan3A_84 : i32 to index
      %swap3A_398 = arith.constant 1664 : index
      %swap3A_399 = tpu.vector_load %arg6[%swap3A_397, %swap3A_398] {strides = array<i32>} : memref<32x2048xf32, #tpu.memory_space<vmem>>, vector<16xf32>,
      tpu.vector_store %arg6[%swap3A_397, %swap3A_398], %broadcast_in_dim3A_10 {strides = array<i32>} : memref<32x2048xf32, #tpu.memory_space<vmem>>, vector<16xf32>,
      %swap3A_400 = arith.index_cast %scan3A_84 : i32 to index
      %swap3A_401 = arith.constant 1680 : index
      %swap3A_402 = tpu.vector_load %arg6[%swap3A_400, %swap3A_401] {strides = array<i32>} : memref<32x2048xf32, #tpu.memory_space<vmem>>, vector<16xf32>,
      tpu.vector_store %arg6[%swap3A_400, %swap3A_401], %broadcast_in_dim3A_10 {strides = array<i32>} : memref<32x2048xf32, #tpu.memory_space<vmem>>, vector<16xf32>,
      %swap3A_403 = arith.index_cast %scan3A_84 : i32 to index
      %swap3A_404 = arith.constant 1696 : index
      %swap3A_405 = tpu.vector_load %arg6[%swap3A_403, %swap3A_404] {strides = array<i32>} : memref<32x2048xf32, #tpu.memory_space<vmem>>, vector<16xf32>,
      tpu.vector_store %arg6[%swap3A_403, %swap3A_404], %broadcast_in_dim3A_10 {strides = array<i32>} : memref<32x2048xf32, #tpu.memory_space<vmem>>, vector<16xf32>,
      %swap3A_406 = arith.index_cast %scan3A_84 : i32 to index
      %swap3A_407 = arith.constant 1712 : index
      %swap3A_408 = tpu.vector_load %arg6[%swap3A_406, %swap3A_407] {strides = array<i32>} : memref<32x2048xf32, #tpu.memory_space<vmem>>, vector<16xf32>,
      tpu.vector_store %arg6[%swap3A_406, %swap3A_407], %broadcast_in_dim3A_10 {strides = array<i32>} : memref<32x2048xf32, #tpu.memory_space<vmem>>, vector<16xf32>,
      %swap3A_409 = arith.index_cast %scan3A_84 : i32 to index
      %swap3A_410 = arith.constant 1728 : index
      %swap3A_411 = tpu.vector_load %arg6[%swap3A_409, %swap3A_410] {strides = array<i32>} : memref<32x2048xf32, #tpu.memory_space<vmem>>, vector<16xf32>,
      tpu.vector_store %arg6[%swap3A_409, %swap3A_410], %broadcast_in_dim3A_10 {strides = array<i32>} : memref<32x2048xf32, #tpu.memory_space<vmem>>, vector<16xf32>,
      %swap3A_412 = arith.index_cast %scan3A_84 : i32 to index
      %swap3A_413 = arith.constant 1744 : index
      %swap3A_414 = tpu.vector_load %arg6[%swap3A_412, %swap3A_413] {strides = array<i32>} : memref<32x2048xf32, #tpu.memory_space<vmem>>, vector<16xf32>,
      tpu.vector_store %arg6[%swap3A_412, %swap3A_413], %broadcast_in_dim3A_10 {strides = array<i32>} : memref<32x2048xf32, #tpu.memory_space<vmem>>, vector<16xf32>,
      %swap3A_415 = arith.index_cast %scan3A_84 : i32 to index
      %swap3A_416 = arith.constant 1760 : index
      %swap3A_417 = tpu.vector_load %arg6[%swap3A_415, %swap3A_416] {strides = array<i32>} : memref<32x2048xf32, #tpu.memory_space<vmem>>, vector<16xf32>,
      tpu.vector_store %arg6[%swap3A_415, %swap3A_416], %broadcast_in_dim3A_10 {strides = array<i32>} : memref<32x2048xf32, #tpu.memory_space<vmem>>, vector<16xf32>,
      %swap3A_418 = arith.index_cast %scan3A_84 : i32 to index
      %swap3A_419 = arith.constant 1776 : index
      %swap3A_420 = tpu.vector_load %arg6[%swap3A_418, %swap3A_419] {strides = array<i32>} : memref<32x2048xf32, #tpu.memory_space<vmem>>, vector<16xf32>,
      tpu.vector_store %arg6[%swap3A_418, %swap3A_419], %broadcast_in_dim3A_10 {strides = array<i32>} : memref<32x2048xf32, #tpu.memory_space<vmem>>, vector<16xf32>,
      %swap3A_421 = arith.index_cast %scan3A_84 : i32 to index
      %swap3A_422 = arith.constant 1792 : index
      %swap3A_423 = tpu.vector_load %arg6[%swap3A_421, %swap3A_422] {strides = array<i32>} : memref<32x2048xf32, #tpu.memory_space<vmem>>, vector<16xf32>,
      tpu.vector_store %arg6[%swap3A_421, %swap3A_422], %broadcast_in_dim3A_10 {strides = array<i32>} : memref<32x2048xf32, #tpu.memory_space<vmem>>, vector<16xf32>,
      %swap3A_424 = arith.index_cast %scan3A_84 : i32 to index
      %swap3A_425 = arith.constant 1808 : index
      %swap3A_426 = tpu.vector_load %arg6[%swap3A_424, %swap3A_425] {strides = array<i32>} : memref<32x2048xf32, #tpu.memory_space<vmem>>, vector<16xf32>,
      tpu.vector_store %arg6[%swap3A_424, %swap3A_425], %broadcast_in_dim3A_10 {strides = array<i32>} : memref<32x2048xf32, #tpu.memory_space<vmem>>, vector<16xf32>,
      %swap3A_427 = arith.index_cast %scan3A_84 : i32 to index
      %swap3A_428 = arith.constant 1824 : index
      %swap3A_429 = tpu.vector_load %arg6[%swap3A_427, %swap3A_428] {strides = array<i32>} : memref<32x2048xf32, #tpu.memory_space<vmem>>, vector<16xf32>,
      tpu.vector_store %arg6[%swap3A_427, %swap3A_428], %broadcast_in_dim3A_10 {strides = array<i32>} : memref<32x2048xf32, #tpu.memory_space<vmem>>, vector<16xf32>,
      %swap3A_430 = arith.index_cast %scan3A_84 : i32 to index
      %swap3A_431 = arith.constant 1840 : index
      %swap3A_432 = tpu.vector_load %arg6[%swap3A_430, %swap3A_431] {strides = array<i32>} : memref<32x2048xf32, #tpu.memory_space<vmem>>, vector<16xf32>,
      tpu.vector_store %arg6[%swap3A_430, %swap3A_431], %broadcast_in_dim3A_10 {strides = array<i32>} : memref<32x2048xf32, #tpu.memory_space<vmem>>, vector<16xf32>,
      %swap3A_433 = arith.index_cast %scan3A_84 : i32 to index
      %swap3A_434 = arith.constant 1856 : index
      %swap3A_435 = tpu.vector_load %arg6[%swap3A_433, %swap3A_434] {strides = array<i32>} : memref<32x2048xf32, #tpu.memory_space<vmem>>, vector<16xf32>,
      tpu.vector_store %arg6[%swap3A_433, %swap3A_434], %broadcast_in_dim3A_10 {strides = array<i32>} : memref<32x2048xf32, #tpu.memory_space<vmem>>, vector<16xf32>,
      %swap3A_436 = arith.index_cast %scan3A_84 : i32 to index
      %swap3A_437 = arith.constant 1872 : index
      %swap3A_438 = tpu.vector_load %arg6[%swap3A_436, %swap3A_437] {strides = array<i32>} : memref<32x2048xf32, #tpu.memory_space<vmem>>, vector<16xf32>,
      tpu.vector_store %arg6[%swap3A_436, %swap3A_437], %broadcast_in_dim3A_10 {strides = array<i32>} : memref<32x2048xf32, #tpu.memory_space<vmem>>, vector<16xf32>,
      %swap3A_439 = arith.index_cast %scan3A_84 : i32 to index
      %swap3A_440 = arith.constant 1888 : index
      %swap3A_441 = tpu.vector_load %arg6[%swap3A_439, %swap3A_440] {strides = array<i32>} : memref<32x2048xf32, #tpu.memory_space<vmem>>, vector<16xf32>,
      tpu.vector_store %arg6[%swap3A_439, %swap3A_440], %broadcast_in_dim3A_10 {strides = array<i32>} : memref<32x2048xf32, #tpu.memory_space<vmem>>, vector<16xf32>,
      %swap3A_442 = arith.index_cast %scan3A_84 : i32 to index
      %swap3A_443 = arith.constant 1904 : index
      %swap3A_444 = tpu.vector_load %arg6[%swap3A_442, %swap3A_443] {strides = array<i32>} : memref<32x2048xf32, #tpu.memory_space<vmem>>, vector<16xf32>,
      tpu.vector_store %arg6[%swap3A_442, %swap3A_443], %broadcast_in_dim3A_10 {strides = array<i32>} : memref<32x2048xf32, #tpu.memory_space<vmem>>, vector<16xf32>,
      %swap3A_445 = arith.index_cast %scan3A_84 : i32 to index
      %swap3A_446 = arith.constant 1920 : index
      %swap3A_447 = tpu.vector_load %arg6[%swap3A_445, %swap3A_446] {strides = array<i32>} : memref<32x2048xf32, #tpu.memory_space<vmem>>, vector<16xf32>,
      tpu.vector_store %arg6[%swap3A_445, %swap3A_446], %broadcast_in_dim3A_10 {strides = array<i32>} : memref<32x2048xf32, #tpu.memory_space<vmem>>, vector<16xf32>,
      %swap3A_448 = arith.index_cast %scan3A_84 : i32 to index
      %swap3A_449 = arith.constant 1936 : index
      %swap3A_450 = tpu.vector_load %arg6[%swap3A_448, %swap3A_449] {strides = array<i32>} : memref<32x2048xf32, #tpu.memory_space<vmem>>, vector<16xf32>,
      tpu.vector_store %arg6[%swap3A_448, %swap3A_449], %broadcast_in_dim3A_10 {strides = array<i32>} : memref<32x2048xf32, #tpu.memory_space<vmem>>, vector<16xf32>,
      %swap3A_451 = arith.index_cast %scan3A_84 : i32 to index
      %swap3A_452 = arith.constant 1952 : index
      %swap3A_453 = tpu.vector_load %arg6[%swap3A_451, %swap3A_452] {strides = array<i32>} : memref<32x2048xf32, #tpu.memory_space<vmem>>, vector<16xf32>,
      tpu.vector_store %arg6[%swap3A_451, %swap3A_452], %broadcast_in_dim3A_10 {strides = array<i32>} : memref<32x2048xf32, #tpu.memory_space<vmem>>, vector<16xf32>,
      %swap3A_454 = arith.index_cast %scan3A_84 : i32 to index
      %swap3A_455 = arith.constant 1968 : index
      %swap3A_456 = tpu.vector_load %arg6[%swap3A_454, %swap3A_455] {strides = array<i32>} : memref<32x2048xf32, #tpu.memory_space<vmem>>, vector<16xf32>,
      tpu.vector_store %arg6[%swap3A_454, %swap3A_455], %broadcast_in_dim3A_10 {strides = array<i32>} : memref<32x2048xf32, #tpu.memory_space<vmem>>, vector<16xf32>,
      %swap3A_457 = arith.index_cast %scan3A_84 : i32 to index
      %swap3A_458 = arith.constant 1984 : index
      %swap3A_459 = tpu.vector_load %arg6[%swap3A_457, %swap3A_458] {strides = array<i32>} : memref<32x2048xf32, #tpu.memory_space<vmem>>, vector<16xf32>,
      tpu.vector_store %arg6[%swap3A_457, %swap3A_458], %broadcast_in_dim3A_10 {strides = array<i32>} : memref<32x2048xf32, #tpu.memory_space<vmem>>, vector<16xf32>,
      %swap3A_460 = arith.index_cast %scan3A_84 : i32 to index
      %swap3A_461 = arith.constant 2000 : index
      %swap3A_462 = tpu.vector_load %arg6[%swap3A_460, %swap3A_461] {strides = array<i32>} : memref<32x2048xf32, #tpu.memory_space<vmem>>, vector<16xf32>,
      tpu.vector_store %arg6[%swap3A_460, %swap3A_461], %broadcast_in_dim3A_10 {strides = array<i32>} : memref<32x2048xf32, #tpu.memory_space<vmem>>, vector<16xf32>,
      %swap3A_463 = arith.index_cast %scan3A_84 : i32 to index
      %swap3A_464 = arith.constant 2016 : index
      %swap3A_465 = tpu.vector_load %arg6[%swap3A_463, %swap3A_464] {strides = array<i32>} : memref<32x2048xf32, #tpu.memory_space<vmem>>, vector<16xf32>,
      tpu.vector_store %arg6[%swap3A_463, %swap3A_464], %broadcast_in_dim3A_10 {strides = array<i32>} : memref<32x2048xf32, #tpu.memory_space<vmem>>, vector<16xf32>,
      %swap3A_466 = arith.index_cast %scan3A_84 : i32 to index
      %swap3A_467 = arith.constant 2032 : index
      %swap3A_468 = tpu.vector_load %arg6[%swap3A_466, %swap3A_467] {strides = array<i32>} : memref<32x2048xf32, #tpu.memory_space<vmem>>, vector<16xf32>,
      tpu.vector_store %arg6[%swap3A_466, %swap3A_467], %broadcast_in_dim3A_10 {strides = array<i32>} : memref<32x2048xf32, #tpu.memory_space<vmem>>, vector<16xf32>,
      %scan3A_469 = arith.constant 0 : i32
      scf.yield %scan3A_469 : i32
    }
    %scan3A_16 = arith.constant 32 : i32
    %slice3A = vector.extract_strided_slice %get3A_3 {offsets = [0], sizes = [1], strides = [1]} : vector<16xi32> to vector<1xi32>
    %squeeze3A = vector.extract %slice3A[0] : i32 from vector<1xi32>
    %slice3A_17 = vector.extract_strided_slice %get3A_3 {offsets = [1], sizes = [1], strides = [1]} : vector<16xi32> to vector<1xi32>
    %squeeze3A_18 = vector.extract %slice3A_17[0] : i32 from vector<1xi32>
    %shift_right_arithmetic3A = arith.constant 3 : i32
    %shift_right_arithmetic3A_19 = arith.shrsi %squeeze3A, %shift_right_arithmetic3A : i32
    %shift_left3A = arith.constant 3 : i32
    %shift_left3A_20 = arith.shli %shift_right_arithmetic3A_19, %shift_left3A : i32
    %multiple_of3A_21 = tpu.assume_multiple %shift_left3A_20, 8 : i32
    %sub3A = arith.subi %squeeze3A_18, %multiple_of3A_21 : i32
    %add3A_22 = arith.constant 1023 : i32
    %add3A_23 = arith.addi %sub3A, %add3A_22 : i32
    %shift_right_arithmetic3A_24 = arith.constant 10 : i32
    %shift_right_arithmetic3A_25 = arith.shrsi %add3A_23, %shift_right_arithmetic3A_24 : i32
    %while3A = arith.constant 0 : i32
    %while3A_26 = arith.constant 0 : i32
    %while3A_27 = arith.subi %shift_right_arithmetic3A_25, %while3A : i32
    %while3A_28 = arith.addi %while3A, %while3A_27 : i32
    %while3A_29 = arith.constant 1 : i32
    %while3A_30 = arith.divsi %while3A_27, %while3A_29 : i32
    %while3A_31 = arith.muli %while3A_30, %while3A_29 : i32
    %while3A_32 = arith.addi %while3A, %while3A_31 : i32
    %while3A_33 = arith.constant 1 : i32
    %while3A_34 = scf.for %while3A_84 = %while3A to %while3A_32 step %while3A_33 iter_args(%while3A_85 = %while3A_26) -> (i32)  : i32 {
      %mul3A_86 = arith.constant 1024 : i32
      %mul3A_87 = arith.muli %while3A_84, %mul3A_86 : i32
      %add3A_88 = arith.addi %multiple_of3A_21, %mul3A_87 : i32
      %multiple_of3A_89 = tpu.assume_multiple %add3A_88, 8 : i32
      "tpu.region"() ({
        %run_scoped3A = tpu.sem_alloc : memref<!tpu.dma_semaphore, #tpu.memory_space<semaphore_mem>>
        %dma_start3A = tpu.memref_slice %arg2[%multiple_of3A_89] : memref<43008xi32, #tpu.memory_space<hbm>> -> memref<1024xi32, #tpu.memory_space<hbm>>
        %dma_start3A_98 = tpu.memref_slice %arg2[%multiple_of3A_89] : memref<43008xi32, #tpu.memory_space<hbm>> -> memref<1024xi32, #tpu.memory_space<hbm>>
        tpu.enqueue_dma source(%dma_start3A_98 : memref<1024xi32, #tpu.memory_space<hbm>>) target(%arg7 : memref<1024xi32, #tpu.memory_space<vmem>>) target_semaphore(%run_scoped3A : memref<!tpu.dma_semaphore, #tpu.memory_space<semaphore_mem>>)
        %dma_wait3A = tpu.memref_slice %arg2[%multiple_of3A_89] : memref<43008xi32, #tpu.memory_space<hbm>> -> memref<1024xi32, #tpu.memory_space<hbm>>
        %dma_wait3A_99 = tpu.memref_slice %arg2[%multiple_of3A_89] : memref<43008xi32, #tpu.memory_space<hbm>> -> memref<1024xi32, #tpu.memory_space<hbm>>
        tpu.wait_dma2 semaphore(%run_scoped3A : memref<!tpu.dma_semaphore, #tpu.memory_space<semaphore_mem>>) src(%dma_wait3A_99 : memref<1024xi32, #tpu.memory_space<hbm>>) dst(%arg7 : memref<1024xi32, #tpu.memory_space<vmem>>)
        tpu.yield
      }) : () -> ()
      "tpu.region"() ({
        %run_scoped3A = tpu.sem_alloc : memref<!tpu.dma_semaphore, #tpu.memory_space<semaphore_mem>>
        %dma_start3A = tpu.memref_slice %arg3[%multiple_of3A_89] : memref<43008xf32, #tpu.memory_space<hbm>> -> memref<1024xf32, #tpu.memory_space<hbm>>
        %dma_start3A_98 = tpu.memref_slice %arg3[%multiple_of3A_89] : memref<43008xf32, #tpu.memory_space<hbm>> -> memref<1024xf32, #tpu.memory_space<hbm>>
        tpu.enqueue_dma source(%dma_start3A_98 : memref<1024xf32, #tpu.memory_space<hbm>>) target(%arg8 : memref<1024xf32, #tpu.memory_space<vmem>>) target_semaphore(%run_scoped3A : memref<!tpu.dma_semaphore, #tpu.memory_space<semaphore_mem>>)
        %dma_wait3A = tpu.memref_slice %arg3[%multiple_of3A_89] : memref<43008xf32, #tpu.memory_space<hbm>> -> memref<1024xf32, #tpu.memory_space<hbm>>
        %dma_wait3A_99 = tpu.memref_slice %arg3[%multiple_of3A_89] : memref<43008xf32, #tpu.memory_space<hbm>> -> memref<1024xf32, #tpu.memory_space<hbm>>
        tpu.wait_dma2 semaphore(%run_scoped3A : memref<!tpu.dma_semaphore, #tpu.memory_space<semaphore_mem>>) src(%dma_wait3A_99 : memref<1024xf32, #tpu.memory_space<hbm>>) dst(%arg8 : memref<1024xf32, #tpu.memory_space<vmem>>)
        tpu.yield
      }) : () -> ()
      %scan3A_90 = arith.constant 0 : i32
      %scan3A_91 = arith.constant 0 : i32
      %scan3A_92 = arith.constant 64 : i32
      %scan3A_93 = arith.addi %scan3A_91, %scan3A_92 : i32
      %scan3A_94 = arith.constant 1 : i32
      %scan3A_95 = scf.for %scan3A_98 = %scan3A_91 to %scan3A_93 step %scan3A_94 iter_args(%scan3A_99 = %scan3A_90) -> (i32)  : i32 {
        %mul3A_100 = arith.constant 16 : i32
        %mul3A_101 = arith.muli %scan3A_98, %mul3A_100 : i32
        %get3A_102 = arith.index_cast %mul3A_101 : i32 to index
        %get3A_103 = tpu.vector_load %arg7[%get3A_102] {strides = array<i32>} : memref<1024xi32, #tpu.memory_space<vmem>>, vector<16xi32>,
        %mul3A_104 = arith.constant 16 : i32
        %mul3A_105 = arith.muli %scan3A_98, %mul3A_104 : i32
        %get3A_106 = arith.index_cast %mul3A_105 : i32 to index
        %get3A_107 = tpu.vector_load %arg8[%get3A_106] {strides = array<i32>} : memref<1024xf32, #tpu.memory_space<vmem>>, vector<16xf32>,
        %ge3A = vector.broadcast %mul3A_9 : i32 to vector<16xi32>
        %ge3A_108 = arith.cmpi sge, %get3A_103, %ge3A : vector<16xi32>
        %add3A_109 = arith.constant 65536 : i32
        %add3A_110 = arith.addi %mul3A_9, %add3A_109 : i32
        %lt3A = vector.broadcast %add3A_110 : i32 to vector<16xi32>
        %lt3A_111 = arith.cmpi slt, %get3A_103, %lt3A : vector<16xi32>
        %and3A = arith.andi %ge3A_108, %lt3A_111 : vector<16xi1>
        %sub3A_112 = vector.broadcast %mul3A_9 : i32 to vector<16xi32>
        %sub3A_113 = arith.subi %get3A_103, %sub3A_112 : vector<16xi32>
        %jit3A = arith.constant 0 : i32
        %broadcast_in_dim3A_114 = vector.broadcast %jit3A : i32 to vector<16xi32>
        %select_n3A = arith.select %and3A, %sub3A_113, %broadcast_in_dim3A_114 : vector<16xi1>, vector<16xi32>
        %shift_right_arithmetic3A_115 = arith.constant 11 : i32
        %shift_right_arithmetic3A_116 = vector.broadcast %shift_right_arithmetic3A_115 : i32 to vector<16xi32>
        %shift_right_arithmetic3A_117 = arith.shrsi %select_n3A, %shift_right_arithmetic3A_116 : vector<16xi32>
        %and3A_118 = arith.constant 2047 : i32
        %and3A_119 = vector.broadcast %and3A_118 : i32 to vector<16xi32>
        %and3A_120 = arith.andi %select_n3A, %and3A_119 : vector<16xi32>
        tpu.vector_store_idx %arg6[%shift_right_arithmetic3A_117, %and3A_120], %get3A_107 masked %and3A : memref<32x2048xf32, #tpu.memory_space<vmem>>[vector<16xi32>, vector<16xi32>], vector<16xf32>, vector<16xi1>
        %scan3A_121 = arith.constant 0 : i32
        scf.yield %scan3A_121 : i32
      }
      %scan3A_96 = arith.constant 64 : i32
      %while3A_97 = arith.constant 0 : i32
      scf.yield %while3A_97 : i32
    }
    %while3A_35 = arith.constant 1 : i32
    %while3A_36 = scf.for %while3A_84 = %while3A_32 to %while3A_28 step %while3A_35 iter_args(%while3A_85 = %while3A_34) -> (i32)  : i32 {
      %mul3A_86 = arith.constant 1024 : i32
      %mul3A_87 = arith.muli %while3A_84, %mul3A_86 : i32
      %add3A_88 = arith.addi %multiple_of3A_21, %mul3A_87 : i32
      %multiple_of3A_89 = tpu.assume_multiple %add3A_88, 8 : i32
      "tpu.region"() ({
        %run_scoped3A = tpu.sem_alloc : memref<!tpu.dma_semaphore, #tpu.memory_space<semaphore_mem>>
        %dma_start3A = tpu.memref_slice %arg2[%multiple_of3A_89] : memref<43008xi32, #tpu.memory_space<hbm>> -> memref<1024xi32, #tpu.memory_space<hbm>>
        %dma_start3A_98 = tpu.memref_slice %arg2[%multiple_of3A_89] : memref<43008xi32, #tpu.memory_space<hbm>> -> memref<1024xi32, #tpu.memory_space<hbm>>
        tpu.enqueue_dma source(%dma_start3A_98 : memref<1024xi32, #tpu.memory_space<hbm>>) target(%arg7 : memref<1024xi32, #tpu.memory_space<vmem>>) target_semaphore(%run_scoped3A : memref<!tpu.dma_semaphore, #tpu.memory_space<semaphore_mem>>)
        %dma_wait3A = tpu.memref_slice %arg2[%multiple_of3A_89] : memref<43008xi32, #tpu.memory_space<hbm>> -> memref<1024xi32, #tpu.memory_space<hbm>>
        %dma_wait3A_99 = tpu.memref_slice %arg2[%multiple_of3A_89] : memref<43008xi32, #tpu.memory_space<hbm>> -> memref<1024xi32, #tpu.memory_space<hbm>>
        tpu.wait_dma2 semaphore(%run_scoped3A : memref<!tpu.dma_semaphore, #tpu.memory_space<semaphore_mem>>) src(%dma_wait3A_99 : memref<1024xi32, #tpu.memory_space<hbm>>) dst(%arg7 : memref<1024xi32, #tpu.memory_space<vmem>>)
        tpu.yield
      }) : () -> ()
      "tpu.region"() ({
        %run_scoped3A = tpu.sem_alloc : memref<!tpu.dma_semaphore, #tpu.memory_space<semaphore_mem>>
        %dma_start3A = tpu.memref_slice %arg3[%multiple_of3A_89] : memref<43008xf32, #tpu.memory_space<hbm>> -> memref<1024xf32, #tpu.memory_space<hbm>>
        %dma_start3A_98 = tpu.memref_slice %arg3[%multiple_of3A_89] : memref<43008xf32, #tpu.memory_space<hbm>> -> memref<1024xf32, #tpu.memory_space<hbm>>
        tpu.enqueue_dma source(%dma_start3A_98 : memref<1024xf32, #tpu.memory_space<hbm>>) target(%arg8 : memref<1024xf32, #tpu.memory_space<vmem>>) target_semaphore(%run_scoped3A : memref<!tpu.dma_semaphore, #tpu.memory_space<semaphore_mem>>)
        %dma_wait3A = tpu.memref_slice %arg3[%multiple_of3A_89] : memref<43008xf32, #tpu.memory_space<hbm>> -> memref<1024xf32, #tpu.memory_space<hbm>>
        %dma_wait3A_99 = tpu.memref_slice %arg3[%multiple_of3A_89] : memref<43008xf32, #tpu.memory_space<hbm>> -> memref<1024xf32, #tpu.memory_space<hbm>>
        tpu.wait_dma2 semaphore(%run_scoped3A : memref<!tpu.dma_semaphore, #tpu.memory_space<semaphore_mem>>) src(%dma_wait3A_99 : memref<1024xf32, #tpu.memory_space<hbm>>) dst(%arg8 : memref<1024xf32, #tpu.memory_space<vmem>>)
        tpu.yield
      }) : () -> ()
      %scan3A_90 = arith.constant 0 : i32
      %scan3A_91 = arith.constant 0 : i32
      %scan3A_92 = arith.constant 64 : i32
      %scan3A_93 = arith.addi %scan3A_91, %scan3A_92 : i32
      %scan3A_94 = arith.constant 1 : i32
      %scan3A_95 = scf.for %scan3A_98 = %scan3A_91 to %scan3A_93 step %scan3A_94 iter_args(%scan3A_99 = %scan3A_90) -> (i32)  : i32 {
        %mul3A_100 = arith.constant 16 : i32
        %mul3A_101 = arith.muli %scan3A_98, %mul3A_100 : i32
        %get3A_102 = arith.index_cast %mul3A_101 : i32 to index
        %get3A_103 = tpu.vector_load %arg7[%get3A_102] {strides = array<i32>} : memref<1024xi32, #tpu.memory_space<vmem>>, vector<16xi32>,
        %mul3A_104 = arith.constant 16 : i32
        %mul3A_105 = arith.muli %scan3A_98, %mul3A_104 : i32
        %get3A_106 = arith.index_cast %mul3A_105 : i32 to index
        %get3A_107 = tpu.vector_load %arg8[%get3A_106] {strides = array<i32>} : memref<1024xf32, #tpu.memory_space<vmem>>, vector<16xf32>,
        %ge3A = vector.broadcast %mul3A_9 : i32 to vector<16xi32>
        %ge3A_108 = arith.cmpi sge, %get3A_103, %ge3A : vector<16xi32>
        %add3A_109 = arith.constant 65536 : i32
        %add3A_110 = arith.addi %mul3A_9, %add3A_109 : i32
        %lt3A = vector.broadcast %add3A_110 : i32 to vector<16xi32>
        %lt3A_111 = arith.cmpi slt, %get3A_103, %lt3A : vector<16xi32>
        %and3A = arith.andi %ge3A_108, %lt3A_111 : vector<16xi1>
        %sub3A_112 = vector.broadcast %mul3A_9 : i32 to vector<16xi32>
        %sub3A_113 = arith.subi %get3A_103, %sub3A_112 : vector<16xi32>
        %jit3A = arith.constant 0 : i32
        %broadcast_in_dim3A_114 = vector.broadcast %jit3A : i32 to vector<16xi32>
        %select_n3A = arith.select %and3A, %sub3A_113, %broadcast_in_dim3A_114 : vector<16xi1>, vector<16xi32>
        %shift_right_arithmetic3A_115 = arith.constant 11 : i32
        %shift_right_arithmetic3A_116 = vector.broadcast %shift_right_arithmetic3A_115 : i32 to vector<16xi32>
        %shift_right_arithmetic3A_117 = arith.shrsi %select_n3A, %shift_right_arithmetic3A_116 : vector<16xi32>
        %and3A_118 = arith.constant 2047 : i32
        %and3A_119 = vector.broadcast %and3A_118 : i32 to vector<16xi32>
        %and3A_120 = arith.andi %select_n3A, %and3A_119 : vector<16xi32>
        tpu.vector_store_idx %arg6[%shift_right_arithmetic3A_117, %and3A_120], %get3A_107 masked %and3A : memref<32x2048xf32, #tpu.memory_space<vmem>>[vector<16xi32>, vector<16xi32>], vector<16xf32>, vector<16xi1>
        %scan3A_121 = arith.constant 0 : i32
        scf.yield %scan3A_121 : i32
      }
      %scan3A_96 = arith.constant 64 : i32
      %while3A_97 = arith.constant 0 : i32
      scf.yield %while3A_97 : i32
    }
    %mul3A_37 = arith.constant 32 : i32
    %mul3A_38 = arith.muli %add3A_7, %mul3A_37 : i32
    %multiple_of3A_39 = tpu.assume_multiple %mul3A_38, 8 : i32
    "tpu.region"() ({
      %run_scoped3A = tpu.sem_alloc : memref<!tpu.dma_semaphore, #tpu.memory_space<semaphore_mem>>
      %dma_start3A = arith.constant 0 : i32
      %dma_start3A_84 = tpu.memref_slice %arg5[%multiple_of3A_39, %dma_start3A] : memref<2048x2048xf32, #tpu.memory_space<hbm>> -> memref<32x2048xf32, #tpu.memory_space<hbm>>
      %dma_start3A_85 = arith.constant 0 : i32
      %dma_start3A_86 = tpu.memref_slice %arg5[%multiple_of3A_39, %dma_start3A_85] : memref<2048x2048xf32, #tpu.memory_space<hbm>> -> memref<32x2048xf32, #tpu.memory_space<hbm>>
      tpu.enqueue_dma source(%arg6 : memref<32x2048xf32, #tpu.memory_space<vmem>>) target(%dma_start3A_86 : memref<32x2048xf32, #tpu.memory_space<hbm>>) target_semaphore(%run_scoped3A : memref<!tpu.dma_semaphore, #tpu.memory_space<semaphore_mem>>)
      %dma_wait3A = arith.constant 0 : i32
      %dma_wait3A_87 = tpu.memref_slice %arg5[%multiple_of3A_39, %dma_wait3A] : memref<2048x2048xf32, #tpu.memory_space<hbm>> -> memref<32x2048xf32, #tpu.memory_space<hbm>>
      %dma_wait3A_88 = arith.constant 0 : i32
      %dma_wait3A_89 = tpu.memref_slice %arg5[%multiple_of3A_39, %dma_wait3A_88] : memref<2048x2048xf32, #tpu.memory_space<hbm>> -> memref<32x2048xf32, #tpu.memory_space<hbm>>
      tpu.wait_dma2 semaphore(%run_scoped3A : memref<!tpu.dma_semaphore, #tpu.memory_space<semaphore_mem>>) src(%arg6 : memref<32x2048xf32, #tpu.memory_space<vmem>>) dst(%dma_wait3A_89 : memref<32x2048xf32, #tpu.memory_space<hbm>>)
      tpu.yield
    }) : () -> ()
    %mul3A_40 = arith.constant 2 : i32
    %mul3A_41 = arith.muli %add3A, %mul3A_40 : i32
    %add3A_42 = arith.constant 1 : i32
    %add3A_43 = arith.addi %mul3A_41, %add3A_42 : i32
    %mul3A_44 = arith.constant 65536 : i32
    %mul3A_45 = arith.muli %add3A_43, %mul3A_44 : i32
    %broadcast_in_dim3A_46 = arith.constant 0.000000e+00 : f32
    %broadcast_in_dim3A_47 = vector.broadcast %broadcast_in_dim3A_46 : f32 to vector<16xf32>
    %scan3A_48 = arith.constant 0 : i32
    %scan3A_49 = arith.constant 0 : i32
    %scan3A_50 = arith.constant 32 : i32
    %scan3A_51 = arith.addi %scan3A_49, %scan3A_50 : i32
    %scan3A_52 = arith.constant 1 : i32
    %scan3A_53 = scf.for %scan3A_84 = %scan3A_49 to %scan3A_51 step %scan3A_52 iter_args(%scan3A_85 = %scan3A_48) -> (i32)  : i32 {
      %swap3A = arith.index_cast %scan3A_84 : i32 to index
      %swap3A_86 = arith.constant 0 : index
      %swap3A_87 = tpu.vector_load %arg6[%swap3A, %swap3A_86] {strides = array<i32>} : memref<32x2048xf32, #tpu.memory_space<vmem>>, vector<16xf32>,
      tpu.vector_store %arg6[%swap3A, %swap3A_86], %broadcast_in_dim3A_47 {strides = array<i32>} : memref<32x2048xf32, #tpu.memory_space<vmem>>, vector<16xf32>,
      %swap3A_88 = arith.index_cast %scan3A_84 : i32 to index
      %swap3A_89 = arith.constant 16 : index
      %swap3A_90 = tpu.vector_load %arg6[%swap3A_88, %swap3A_89] {strides = array<i32>} : memref<32x2048xf32, #tpu.memory_space<vmem>>, vector<16xf32>,
      tpu.vector_store %arg6[%swap3A_88, %swap3A_89], %broadcast_in_dim3A_47 {strides = array<i32>} : memref<32x2048xf32, #tpu.memory_space<vmem>>, vector<16xf32>,
      %swap3A_91 = arith.index_cast %scan3A_84 : i32 to index
      %swap3A_92 = arith.constant 32 : index
      %swap3A_93 = tpu.vector_load %arg6[%swap3A_91, %swap3A_92] {strides = array<i32>} : memref<32x2048xf32, #tpu.memory_space<vmem>>, vector<16xf32>,
      tpu.vector_store %arg6[%swap3A_91, %swap3A_92], %broadcast_in_dim3A_47 {strides = array<i32>} : memref<32x2048xf32, #tpu.memory_space<vmem>>, vector<16xf32>,
      %swap3A_94 = arith.index_cast %scan3A_84 : i32 to index
      %swap3A_95 = arith.constant 48 : index
      %swap3A_96 = tpu.vector_load %arg6[%swap3A_94, %swap3A_95] {strides = array<i32>} : memref<32x2048xf32, #tpu.memory_space<vmem>>, vector<16xf32>,
      tpu.vector_store %arg6[%swap3A_94, %swap3A_95], %broadcast_in_dim3A_47 {strides = array<i32>} : memref<32x2048xf32, #tpu.memory_space<vmem>>, vector<16xf32>,
      %swap3A_97 = arith.index_cast %scan3A_84 : i32 to index
      %swap3A_98 = arith.constant 64 : index
      %swap3A_99 = tpu.vector_load %arg6[%swap3A_97, %swap3A_98] {strides = array<i32>} : memref<32x2048xf32, #tpu.memory_space<vmem>>, vector<16xf32>,
      tpu.vector_store %arg6[%swap3A_97, %swap3A_98], %broadcast_in_dim3A_47 {strides = array<i32>} : memref<32x2048xf32, #tpu.memory_space<vmem>>, vector<16xf32>,
      %swap3A_100 = arith.index_cast %scan3A_84 : i32 to index
      %swap3A_101 = arith.constant 80 : index
      %swap3A_102 = tpu.vector_load %arg6[%swap3A_100, %swap3A_101] {strides = array<i32>} : memref<32x2048xf32, #tpu.memory_space<vmem>>, vector<16xf32>,
      tpu.vector_store %arg6[%swap3A_100, %swap3A_101], %broadcast_in_dim3A_47 {strides = array<i32>} : memref<32x2048xf32, #tpu.memory_space<vmem>>, vector<16xf32>,
      %swap3A_103 = arith.index_cast %scan3A_84 : i32 to index
      %swap3A_104 = arith.constant 96 : index
      %swap3A_105 = tpu.vector_load %arg6[%swap3A_103, %swap3A_104] {strides = array<i32>} : memref<32x2048xf32, #tpu.memory_space<vmem>>, vector<16xf32>,
      tpu.vector_store %arg6[%swap3A_103, %swap3A_104], %broadcast_in_dim3A_47 {strides = array<i32>} : memref<32x2048xf32, #tpu.memory_space<vmem>>, vector<16xf32>,
      %swap3A_106 = arith.index_cast %scan3A_84 : i32 to index
      %swap3A_107 = arith.constant 112 : index
      %swap3A_108 = tpu.vector_load %arg6[%swap3A_106, %swap3A_107] {strides = array<i32>} : memref<32x2048xf32, #tpu.memory_space<vmem>>, vector<16xf32>,
      tpu.vector_store %arg6[%swap3A_106, %swap3A_107], %broadcast_in_dim3A_47 {strides = array<i32>} : memref<32x2048xf32, #tpu.memory_space<vmem>>, vector<16xf32>,
      %swap3A_109 = arith.index_cast %scan3A_84 : i32 to index
      %swap3A_110 = arith.constant 128 : index
      %swap3A_111 = tpu.vector_load %arg6[%swap3A_109, %swap3A_110] {strides = array<i32>} : memref<32x2048xf32, #tpu.memory_space<vmem>>, vector<16xf32>,
      tpu.vector_store %arg6[%swap3A_109, %swap3A_110], %broadcast_in_dim3A_47 {strides = array<i32>} : memref<32x2048xf32, #tpu.memory_space<vmem>>, vector<16xf32>,
      %swap3A_112 = arith.index_cast %scan3A_84 : i32 to index
      %swap3A_113 = arith.constant 144 : index
      %swap3A_114 = tpu.vector_load %arg6[%swap3A_112, %swap3A_113] {strides = array<i32>} : memref<32x2048xf32, #tpu.memory_space<vmem>>, vector<16xf32>,
      tpu.vector_store %arg6[%swap3A_112, %swap3A_113], %broadcast_in_dim3A_47 {strides = array<i32>} : memref<32x2048xf32, #tpu.memory_space<vmem>>, vector<16xf32>,
      %swap3A_115 = arith.index_cast %scan3A_84 : i32 to index
      %swap3A_116 = arith.constant 160 : index
      %swap3A_117 = tpu.vector_load %arg6[%swap3A_115, %swap3A_116] {strides = array<i32>} : memref<32x2048xf32, #tpu.memory_space<vmem>>, vector<16xf32>,
      tpu.vector_store %arg6[%swap3A_115, %swap3A_116], %broadcast_in_dim3A_47 {strides = array<i32>} : memref<32x2048xf32, #tpu.memory_space<vmem>>, vector<16xf32>,
      %swap3A_118 = arith.index_cast %scan3A_84 : i32 to index
      %swap3A_119 = arith.constant 176 : index
      %swap3A_120 = tpu.vector_load %arg6[%swap3A_118, %swap3A_119] {strides = array<i32>} : memref<32x2048xf32, #tpu.memory_space<vmem>>, vector<16xf32>,
      tpu.vector_store %arg6[%swap3A_118, %swap3A_119], %broadcast_in_dim3A_47 {strides = array<i32>} : memref<32x2048xf32, #tpu.memory_space<vmem>>, vector<16xf32>,
      %swap3A_121 = arith.index_cast %scan3A_84 : i32 to index
      %swap3A_122 = arith.constant 192 : index
      %swap3A_123 = tpu.vector_load %arg6[%swap3A_121, %swap3A_122] {strides = array<i32>} : memref<32x2048xf32, #tpu.memory_space<vmem>>, vector<16xf32>,
      tpu.vector_store %arg6[%swap3A_121, %swap3A_122], %broadcast_in_dim3A_47 {strides = array<i32>} : memref<32x2048xf32, #tpu.memory_space<vmem>>, vector<16xf32>,
      %swap3A_124 = arith.index_cast %scan3A_84 : i32 to index
      %swap3A_125 = arith.constant 208 : index
      %swap3A_126 = tpu.vector_load %arg6[%swap3A_124, %swap3A_125] {strides = array<i32>} : memref<32x2048xf32, #tpu.memory_space<vmem>>, vector<16xf32>,
      tpu.vector_store %arg6[%swap3A_124, %swap3A_125], %broadcast_in_dim3A_47 {strides = array<i32>} : memref<32x2048xf32, #tpu.memory_space<vmem>>, vector<16xf32>,
      %swap3A_127 = arith.index_cast %scan3A_84 : i32 to index
      %swap3A_128 = arith.constant 224 : index
      %swap3A_129 = tpu.vector_load %arg6[%swap3A_127, %swap3A_128] {strides = array<i32>} : memref<32x2048xf32, #tpu.memory_space<vmem>>, vector<16xf32>,
      tpu.vector_store %arg6[%swap3A_127, %swap3A_128], %broadcast_in_dim3A_47 {strides = array<i32>} : memref<32x2048xf32, #tpu.memory_space<vmem>>, vector<16xf32>,
      %swap3A_130 = arith.index_cast %scan3A_84 : i32 to index
      %swap3A_131 = arith.constant 240 : index
      %swap3A_132 = tpu.vector_load %arg6[%swap3A_130, %swap3A_131] {strides = array<i32>} : memref<32x2048xf32, #tpu.memory_space<vmem>>, vector<16xf32>,
      tpu.vector_store %arg6[%swap3A_130, %swap3A_131], %broadcast_in_dim3A_47 {strides = array<i32>} : memref<32x2048xf32, #tpu.memory_space<vmem>>, vector<16xf32>,
      %swap3A_133 = arith.index_cast %scan3A_84 : i32 to index
      %swap3A_134 = arith.constant 256 : index
      %swap3A_135 = tpu.vector_load %arg6[%swap3A_133, %swap3A_134] {strides = array<i32>} : memref<32x2048xf32, #tpu.memory_space<vmem>>, vector<16xf32>,
      tpu.vector_store %arg6[%swap3A_133, %swap3A_134], %broadcast_in_dim3A_47 {strides = array<i32>} : memref<32x2048xf32, #tpu.memory_space<vmem>>, vector<16xf32>,
      %swap3A_136 = arith.index_cast %scan3A_84 : i32 to index
      %swap3A_137 = arith.constant 272 : index
      %swap3A_138 = tpu.vector_load %arg6[%swap3A_136, %swap3A_137] {strides = array<i32>} : memref<32x2048xf32, #tpu.memory_space<vmem>>, vector<16xf32>,
      tpu.vector_store %arg6[%swap3A_136, %swap3A_137], %broadcast_in_dim3A_47 {strides = array<i32>} : memref<32x2048xf32, #tpu.memory_space<vmem>>, vector<16xf32>,
      %swap3A_139 = arith.index_cast %scan3A_84 : i32 to index
      %swap3A_140 = arith.constant 288 : index
      %swap3A_141 = tpu.vector_load %arg6[%swap3A_139, %swap3A_140] {strides = array<i32>} : memref<32x2048xf32, #tpu.memory_space<vmem>>, vector<16xf32>,
      tpu.vector_store %arg6[%swap3A_139, %swap3A_140], %broadcast_in_dim3A_47 {strides = array<i32>} : memref<32x2048xf32, #tpu.memory_space<vmem>>, vector<16xf32>,
      %swap3A_142 = arith.index_cast %scan3A_84 : i32 to index
      %swap3A_143 = arith.constant 304 : index
      %swap3A_144 = tpu.vector_load %arg6[%swap3A_142, %swap3A_143] {strides = array<i32>} : memref<32x2048xf32, #tpu.memory_space<vmem>>, vector<16xf32>,
      tpu.vector_store %arg6[%swap3A_142, %swap3A_143], %broadcast_in_dim3A_47 {strides = array<i32>} : memref<32x2048xf32, #tpu.memory_space<vmem>>, vector<16xf32>,
      %swap3A_145 = arith.index_cast %scan3A_84 : i32 to index
      %swap3A_146 = arith.constant 320 : index
      %swap3A_147 = tpu.vector_load %arg6[%swap3A_145, %swap3A_146] {strides = array<i32>} : memref<32x2048xf32, #tpu.memory_space<vmem>>, vector<16xf32>,
      tpu.vector_store %arg6[%swap3A_145, %swap3A_146], %broadcast_in_dim3A_47 {strides = array<i32>} : memref<32x2048xf32, #tpu.memory_space<vmem>>, vector<16xf32>,
      %swap3A_148 = arith.index_cast %scan3A_84 : i32 to index
      %swap3A_149 = arith.constant 336 : index
      %swap3A_150 = tpu.vector_load %arg6[%swap3A_148, %swap3A_149] {strides = array<i32>} : memref<32x2048xf32, #tpu.memory_space<vmem>>, vector<16xf32>,
      tpu.vector_store %arg6[%swap3A_148, %swap3A_149], %broadcast_in_dim3A_47 {strides = array<i32>} : memref<32x2048xf32, #tpu.memory_space<vmem>>, vector<16xf32>,
      %swap3A_151 = arith.index_cast %scan3A_84 : i32 to index
      %swap3A_152 = arith.constant 352 : index
      %swap3A_153 = tpu.vector_load %arg6[%swap3A_151, %swap3A_152] {strides = array<i32>} : memref<32x2048xf32, #tpu.memory_space<vmem>>, vector<16xf32>,
      tpu.vector_store %arg6[%swap3A_151, %swap3A_152], %broadcast_in_dim3A_47 {strides = array<i32>} : memref<32x2048xf32, #tpu.memory_space<vmem>>, vector<16xf32>,
      %swap3A_154 = arith.index_cast %scan3A_84 : i32 to index
      %swap3A_155 = arith.constant 368 : index
      %swap3A_156 = tpu.vector_load %arg6[%swap3A_154, %swap3A_155] {strides = array<i32>} : memref<32x2048xf32, #tpu.memory_space<vmem>>, vector<16xf32>,
      tpu.vector_store %arg6[%swap3A_154, %swap3A_155], %broadcast_in_dim3A_47 {strides = array<i32>} : memref<32x2048xf32, #tpu.memory_space<vmem>>, vector<16xf32>,
      %swap3A_157 = arith.index_cast %scan3A_84 : i32 to index
      %swap3A_158 = arith.constant 384 : index
      %swap3A_159 = tpu.vector_load %arg6[%swap3A_157, %swap3A_158] {strides = array<i32>} : memref<32x2048xf32, #tpu.memory_space<vmem>>, vector<16xf32>,
      tpu.vector_store %arg6[%swap3A_157, %swap3A_158], %broadcast_in_dim3A_47 {strides = array<i32>} : memref<32x2048xf32, #tpu.memory_space<vmem>>, vector<16xf32>,
      %swap3A_160 = arith.index_cast %scan3A_84 : i32 to index
      %swap3A_161 = arith.constant 400 : index
      %swap3A_162 = tpu.vector_load %arg6[%swap3A_160, %swap3A_161] {strides = array<i32>} : memref<32x2048xf32, #tpu.memory_space<vmem>>, vector<16xf32>,
      tpu.vector_store %arg6[%swap3A_160, %swap3A_161], %broadcast_in_dim3A_47 {strides = array<i32>} : memref<32x2048xf32, #tpu.memory_space<vmem>>, vector<16xf32>,
      %swap3A_163 = arith.index_cast %scan3A_84 : i32 to index
      %swap3A_164 = arith.constant 416 : index
      %swap3A_165 = tpu.vector_load %arg6[%swap3A_163, %swap3A_164] {strides = array<i32>} : memref<32x2048xf32, #tpu.memory_space<vmem>>, vector<16xf32>,
      tpu.vector_store %arg6[%swap3A_163, %swap3A_164], %broadcast_in_dim3A_47 {strides = array<i32>} : memref<32x2048xf32, #tpu.memory_space<vmem>>, vector<16xf32>,
      %swap3A_166 = arith.index_cast %scan3A_84 : i32 to index
      %swap3A_167 = arith.constant 432 : index
      %swap3A_168 = tpu.vector_load %arg6[%swap3A_166, %swap3A_167] {strides = array<i32>} : memref<32x2048xf32, #tpu.memory_space<vmem>>, vector<16xf32>,
      tpu.vector_store %arg6[%swap3A_166, %swap3A_167], %broadcast_in_dim3A_47 {strides = array<i32>} : memref<32x2048xf32, #tpu.memory_space<vmem>>, vector<16xf32>,
      %swap3A_169 = arith.index_cast %scan3A_84 : i32 to index
      %swap3A_170 = arith.constant 448 : index
      %swap3A_171 = tpu.vector_load %arg6[%swap3A_169, %swap3A_170] {strides = array<i32>} : memref<32x2048xf32, #tpu.memory_space<vmem>>, vector<16xf32>,
      tpu.vector_store %arg6[%swap3A_169, %swap3A_170], %broadcast_in_dim3A_47 {strides = array<i32>} : memref<32x2048xf32, #tpu.memory_space<vmem>>, vector<16xf32>,
      %swap3A_172 = arith.index_cast %scan3A_84 : i32 to index
      %swap3A_173 = arith.constant 464 : index
      %swap3A_174 = tpu.vector_load %arg6[%swap3A_172, %swap3A_173] {strides = array<i32>} : memref<32x2048xf32, #tpu.memory_space<vmem>>, vector<16xf32>,
      tpu.vector_store %arg6[%swap3A_172, %swap3A_173], %broadcast_in_dim3A_47 {strides = array<i32>} : memref<32x2048xf32, #tpu.memory_space<vmem>>, vector<16xf32>,
      %swap3A_175 = arith.index_cast %scan3A_84 : i32 to index
      %swap3A_176 = arith.constant 480 : index
      %swap3A_177 = tpu.vector_load %arg6[%swap3A_175, %swap3A_176] {strides = array<i32>} : memref<32x2048xf32, #tpu.memory_space<vmem>>, vector<16xf32>,
      tpu.vector_store %arg6[%swap3A_175, %swap3A_176], %broadcast_in_dim3A_47 {strides = array<i32>} : memref<32x2048xf32, #tpu.memory_space<vmem>>, vector<16xf32>,
      %swap3A_178 = arith.index_cast %scan3A_84 : i32 to index
      %swap3A_179 = arith.constant 496 : index
      %swap3A_180 = tpu.vector_load %arg6[%swap3A_178, %swap3A_179] {strides = array<i32>} : memref<32x2048xf32, #tpu.memory_space<vmem>>, vector<16xf32>,
      tpu.vector_store %arg6[%swap3A_178, %swap3A_179], %broadcast_in_dim3A_47 {strides = array<i32>} : memref<32x2048xf32, #tpu.memory_space<vmem>>, vector<16xf32>,
      %swap3A_181 = arith.index_cast %scan3A_84 : i32 to index
      %swap3A_182 = arith.constant 512 : index
      %swap3A_183 = tpu.vector_load %arg6[%swap3A_181, %swap3A_182] {strides = array<i32>} : memref<32x2048xf32, #tpu.memory_space<vmem>>, vector<16xf32>,
      tpu.vector_store %arg6[%swap3A_181, %swap3A_182], %broadcast_in_dim3A_47 {strides = array<i32>} : memref<32x2048xf32, #tpu.memory_space<vmem>>, vector<16xf32>,
      %swap3A_184 = arith.index_cast %scan3A_84 : i32 to index
      %swap3A_185 = arith.constant 528 : index
      %swap3A_186 = tpu.vector_load %arg6[%swap3A_184, %swap3A_185] {strides = array<i32>} : memref<32x2048xf32, #tpu.memory_space<vmem>>, vector<16xf32>,
      tpu.vector_store %arg6[%swap3A_184, %swap3A_185], %broadcast_in_dim3A_47 {strides = array<i32>} : memref<32x2048xf32, #tpu.memory_space<vmem>>, vector<16xf32>,
      %swap3A_187 = arith.index_cast %scan3A_84 : i32 to index
      %swap3A_188 = arith.constant 544 : index
      %swap3A_189 = tpu.vector_load %arg6[%swap3A_187, %swap3A_188] {strides = array<i32>} : memref<32x2048xf32, #tpu.memory_space<vmem>>, vector<16xf32>,
      tpu.vector_store %arg6[%swap3A_187, %swap3A_188], %broadcast_in_dim3A_47 {strides = array<i32>} : memref<32x2048xf32, #tpu.memory_space<vmem>>, vector<16xf32>,
      %swap3A_190 = arith.index_cast %scan3A_84 : i32 to index
      %swap3A_191 = arith.constant 560 : index
      %swap3A_192 = tpu.vector_load %arg6[%swap3A_190, %swap3A_191] {strides = array<i32>} : memref<32x2048xf32, #tpu.memory_space<vmem>>, vector<16xf32>,
      tpu.vector_store %arg6[%swap3A_190, %swap3A_191], %broadcast_in_dim3A_47 {strides = array<i32>} : memref<32x2048xf32, #tpu.memory_space<vmem>>, vector<16xf32>,
      %swap3A_193 = arith.index_cast %scan3A_84 : i32 to index
      %swap3A_194 = arith.constant 576 : index
      %swap3A_195 = tpu.vector_load %arg6[%swap3A_193, %swap3A_194] {strides = array<i32>} : memref<32x2048xf32, #tpu.memory_space<vmem>>, vector<16xf32>,
      tpu.vector_store %arg6[%swap3A_193, %swap3A_194], %broadcast_in_dim3A_47 {strides = array<i32>} : memref<32x2048xf32, #tpu.memory_space<vmem>>, vector<16xf32>,
      %swap3A_196 = arith.index_cast %scan3A_84 : i32 to index
      %swap3A_197 = arith.constant 592 : index
      %swap3A_198 = tpu.vector_load %arg6[%swap3A_196, %swap3A_197] {strides = array<i32>} : memref<32x2048xf32, #tpu.memory_space<vmem>>, vector<16xf32>,
      tpu.vector_store %arg6[%swap3A_196, %swap3A_197], %broadcast_in_dim3A_47 {strides = array<i32>} : memref<32x2048xf32, #tpu.memory_space<vmem>>, vector<16xf32>,
      %swap3A_199 = arith.index_cast %scan3A_84 : i32 to index
      %swap3A_200 = arith.constant 608 : index
      %swap3A_201 = tpu.vector_load %arg6[%swap3A_199, %swap3A_200] {strides = array<i32>} : memref<32x2048xf32, #tpu.memory_space<vmem>>, vector<16xf32>,
      tpu.vector_store %arg6[%swap3A_199, %swap3A_200], %broadcast_in_dim3A_47 {strides = array<i32>} : memref<32x2048xf32, #tpu.memory_space<vmem>>, vector<16xf32>,
      %swap3A_202 = arith.index_cast %scan3A_84 : i32 to index
      %swap3A_203 = arith.constant 624 : index
      %swap3A_204 = tpu.vector_load %arg6[%swap3A_202, %swap3A_203] {strides = array<i32>} : memref<32x2048xf32, #tpu.memory_space<vmem>>, vector<16xf32>,
      tpu.vector_store %arg6[%swap3A_202, %swap3A_203], %broadcast_in_dim3A_47 {strides = array<i32>} : memref<32x2048xf32, #tpu.memory_space<vmem>>, vector<16xf32>,
      %swap3A_205 = arith.index_cast %scan3A_84 : i32 to index
      %swap3A_206 = arith.constant 640 : index
      %swap3A_207 = tpu.vector_load %arg6[%swap3A_205, %swap3A_206] {strides = array<i32>} : memref<32x2048xf32, #tpu.memory_space<vmem>>, vector<16xf32>,
      tpu.vector_store %arg6[%swap3A_205, %swap3A_206], %broadcast_in_dim3A_47 {strides = array<i32>} : memref<32x2048xf32, #tpu.memory_space<vmem>>, vector<16xf32>,
      %swap3A_208 = arith.index_cast %scan3A_84 : i32 to index
      %swap3A_209 = arith.constant 656 : index
      %swap3A_210 = tpu.vector_load %arg6[%swap3A_208, %swap3A_209] {strides = array<i32>} : memref<32x2048xf32, #tpu.memory_space<vmem>>, vector<16xf32>,
      tpu.vector_store %arg6[%swap3A_208, %swap3A_209], %broadcast_in_dim3A_47 {strides = array<i32>} : memref<32x2048xf32, #tpu.memory_space<vmem>>, vector<16xf32>,
      %swap3A_211 = arith.index_cast %scan3A_84 : i32 to index
      %swap3A_212 = arith.constant 672 : index
      %swap3A_213 = tpu.vector_load %arg6[%swap3A_211, %swap3A_212] {strides = array<i32>} : memref<32x2048xf32, #tpu.memory_space<vmem>>, vector<16xf32>,
      tpu.vector_store %arg6[%swap3A_211, %swap3A_212], %broadcast_in_dim3A_47 {strides = array<i32>} : memref<32x2048xf32, #tpu.memory_space<vmem>>, vector<16xf32>,
      %swap3A_214 = arith.index_cast %scan3A_84 : i32 to index
      %swap3A_215 = arith.constant 688 : index
      %swap3A_216 = tpu.vector_load %arg6[%swap3A_214, %swap3A_215] {strides = array<i32>} : memref<32x2048xf32, #tpu.memory_space<vmem>>, vector<16xf32>,
      tpu.vector_store %arg6[%swap3A_214, %swap3A_215], %broadcast_in_dim3A_47 {strides = array<i32>} : memref<32x2048xf32, #tpu.memory_space<vmem>>, vector<16xf32>,
      %swap3A_217 = arith.index_cast %scan3A_84 : i32 to index
      %swap3A_218 = arith.constant 704 : index
      %swap3A_219 = tpu.vector_load %arg6[%swap3A_217, %swap3A_218] {strides = array<i32>} : memref<32x2048xf32, #tpu.memory_space<vmem>>, vector<16xf32>,
      tpu.vector_store %arg6[%swap3A_217, %swap3A_218], %broadcast_in_dim3A_47 {strides = array<i32>} : memref<32x2048xf32, #tpu.memory_space<vmem>>, vector<16xf32>,
      %swap3A_220 = arith.index_cast %scan3A_84 : i32 to index
      %swap3A_221 = arith.constant 720 : index
      %swap3A_222 = tpu.vector_load %arg6[%swap3A_220, %swap3A_221] {strides = array<i32>} : memref<32x2048xf32, #tpu.memory_space<vmem>>, vector<16xf32>,
      tpu.vector_store %arg6[%swap3A_220, %swap3A_221], %broadcast_in_dim3A_47 {strides = array<i32>} : memref<32x2048xf32, #tpu.memory_space<vmem>>, vector<16xf32>,
      %swap3A_223 = arith.index_cast %scan3A_84 : i32 to index
      %swap3A_224 = arith.constant 736 : index
      %swap3A_225 = tpu.vector_load %arg6[%swap3A_223, %swap3A_224] {strides = array<i32>} : memref<32x2048xf32, #tpu.memory_space<vmem>>, vector<16xf32>,
      tpu.vector_store %arg6[%swap3A_223, %swap3A_224], %broadcast_in_dim3A_47 {strides = array<i32>} : memref<32x2048xf32, #tpu.memory_space<vmem>>, vector<16xf32>,
      %swap3A_226 = arith.index_cast %scan3A_84 : i32 to index
      %swap3A_227 = arith.constant 752 : index
      %swap3A_228 = tpu.vector_load %arg6[%swap3A_226, %swap3A_227] {strides = array<i32>} : memref<32x2048xf32, #tpu.memory_space<vmem>>, vector<16xf32>,
      tpu.vector_store %arg6[%swap3A_226, %swap3A_227], %broadcast_in_dim3A_47 {strides = array<i32>} : memref<32x2048xf32, #tpu.memory_space<vmem>>, vector<16xf32>,
      %swap3A_229 = arith.index_cast %scan3A_84 : i32 to index
      %swap3A_230 = arith.constant 768 : index
      %swap3A_231 = tpu.vector_load %arg6[%swap3A_229, %swap3A_230] {strides = array<i32>} : memref<32x2048xf32, #tpu.memory_space<vmem>>, vector<16xf32>,
      tpu.vector_store %arg6[%swap3A_229, %swap3A_230], %broadcast_in_dim3A_47 {strides = array<i32>} : memref<32x2048xf32, #tpu.memory_space<vmem>>, vector<16xf32>,
      %swap3A_232 = arith.index_cast %scan3A_84 : i32 to index
      %swap3A_233 = arith.constant 784 : index
      %swap3A_234 = tpu.vector_load %arg6[%swap3A_232, %swap3A_233] {strides = array<i32>} : memref<32x2048xf32, #tpu.memory_space<vmem>>, vector<16xf32>,
      tpu.vector_store %arg6[%swap3A_232, %swap3A_233], %broadcast_in_dim3A_47 {strides = array<i32>} : memref<32x2048xf32, #tpu.memory_space<vmem>>, vector<16xf32>,
      %swap3A_235 = arith.index_cast %scan3A_84 : i32 to index
      %swap3A_236 = arith.constant 800 : index
      %swap3A_237 = tpu.vector_load %arg6[%swap3A_235, %swap3A_236] {strides = array<i32>} : memref<32x2048xf32, #tpu.memory_space<vmem>>, vector<16xf32>,
      tpu.vector_store %arg6[%swap3A_235, %swap3A_236], %broadcast_in_dim3A_47 {strides = array<i32>} : memref<32x2048xf32, #tpu.memory_space<vmem>>, vector<16xf32>,
      %swap3A_238 = arith.index_cast %scan3A_84 : i32 to index
      %swap3A_239 = arith.constant 816 : index
      %swap3A_240 = tpu.vector_load %arg6[%swap3A_238, %swap3A_239] {strides = array<i32>} : memref<32x2048xf32, #tpu.memory_space<vmem>>, vector<16xf32>,
      tpu.vector_store %arg6[%swap3A_238, %swap3A_239], %broadcast_in_dim3A_47 {strides = array<i32>} : memref<32x2048xf32, #tpu.memory_space<vmem>>, vector<16xf32>,
      %swap3A_241 = arith.index_cast %scan3A_84 : i32 to index
      %swap3A_242 = arith.constant 832 : index
      %swap3A_243 = tpu.vector_load %arg6[%swap3A_241, %swap3A_242] {strides = array<i32>} : memref<32x2048xf32, #tpu.memory_space<vmem>>, vector<16xf32>,
      tpu.vector_store %arg6[%swap3A_241, %swap3A_242], %broadcast_in_dim3A_47 {strides = array<i32>} : memref<32x2048xf32, #tpu.memory_space<vmem>>, vector<16xf32>,
      %swap3A_244 = arith.index_cast %scan3A_84 : i32 to index
      %swap3A_245 = arith.constant 848 : index
      %swap3A_246 = tpu.vector_load %arg6[%swap3A_244, %swap3A_245] {strides = array<i32>} : memref<32x2048xf32, #tpu.memory_space<vmem>>, vector<16xf32>,
      tpu.vector_store %arg6[%swap3A_244, %swap3A_245], %broadcast_in_dim3A_47 {strides = array<i32>} : memref<32x2048xf32, #tpu.memory_space<vmem>>, vector<16xf32>,
      %swap3A_247 = arith.index_cast %scan3A_84 : i32 to index
      %swap3A_248 = arith.constant 864 : index
      %swap3A_249 = tpu.vector_load %arg6[%swap3A_247, %swap3A_248] {strides = array<i32>} : memref<32x2048xf32, #tpu.memory_space<vmem>>, vector<16xf32>,
      tpu.vector_store %arg6[%swap3A_247, %swap3A_248], %broadcast_in_dim3A_47 {strides = array<i32>} : memref<32x2048xf32, #tpu.memory_space<vmem>>, vector<16xf32>,
      %swap3A_250 = arith.index_cast %scan3A_84 : i32 to index
      %swap3A_251 = arith.constant 880 : index
      %swap3A_252 = tpu.vector_load %arg6[%swap3A_250, %swap3A_251] {strides = array<i32>} : memref<32x2048xf32, #tpu.memory_space<vmem>>, vector<16xf32>,
      tpu.vector_store %arg6[%swap3A_250, %swap3A_251], %broadcast_in_dim3A_47 {strides = array<i32>} : memref<32x2048xf32, #tpu.memory_space<vmem>>, vector<16xf32>,
      %swap3A_253 = arith.index_cast %scan3A_84 : i32 to index
      %swap3A_254 = arith.constant 896 : index
      %swap3A_255 = tpu.vector_load %arg6[%swap3A_253, %swap3A_254] {strides = array<i32>} : memref<32x2048xf32, #tpu.memory_space<vmem>>, vector<16xf32>,
      tpu.vector_store %arg6[%swap3A_253, %swap3A_254], %broadcast_in_dim3A_47 {strides = array<i32>} : memref<32x2048xf32, #tpu.memory_space<vmem>>, vector<16xf32>,
      %swap3A_256 = arith.index_cast %scan3A_84 : i32 to index
      %swap3A_257 = arith.constant 912 : index
      %swap3A_258 = tpu.vector_load %arg6[%swap3A_256, %swap3A_257] {strides = array<i32>} : memref<32x2048xf32, #tpu.memory_space<vmem>>, vector<16xf32>,
      tpu.vector_store %arg6[%swap3A_256, %swap3A_257], %broadcast_in_dim3A_47 {strides = array<i32>} : memref<32x2048xf32, #tpu.memory_space<vmem>>, vector<16xf32>,
      %swap3A_259 = arith.index_cast %scan3A_84 : i32 to index
      %swap3A_260 = arith.constant 928 : index
      %swap3A_261 = tpu.vector_load %arg6[%swap3A_259, %swap3A_260] {strides = array<i32>} : memref<32x2048xf32, #tpu.memory_space<vmem>>, vector<16xf32>,
      tpu.vector_store %arg6[%swap3A_259, %swap3A_260], %broadcast_in_dim3A_47 {strides = array<i32>} : memref<32x2048xf32, #tpu.memory_space<vmem>>, vector<16xf32>,
      %swap3A_262 = arith.index_cast %scan3A_84 : i32 to index
      %swap3A_263 = arith.constant 944 : index
      %swap3A_264 = tpu.vector_load %arg6[%swap3A_262, %swap3A_263] {strides = array<i32>} : memref<32x2048xf32, #tpu.memory_space<vmem>>, vector<16xf32>,
      tpu.vector_store %arg6[%swap3A_262, %swap3A_263], %broadcast_in_dim3A_47 {strides = array<i32>} : memref<32x2048xf32, #tpu.memory_space<vmem>>, vector<16xf32>,
      %swap3A_265 = arith.index_cast %scan3A_84 : i32 to index
      %swap3A_266 = arith.constant 960 : index
      %swap3A_267 = tpu.vector_load %arg6[%swap3A_265, %swap3A_266] {strides = array<i32>} : memref<32x2048xf32, #tpu.memory_space<vmem>>, vector<16xf32>,
      tpu.vector_store %arg6[%swap3A_265, %swap3A_266], %broadcast_in_dim3A_47 {strides = array<i32>} : memref<32x2048xf32, #tpu.memory_space<vmem>>, vector<16xf32>,
      %swap3A_268 = arith.index_cast %scan3A_84 : i32 to index
      %swap3A_269 = arith.constant 976 : index
      %swap3A_270 = tpu.vector_load %arg6[%swap3A_268, %swap3A_269] {strides = array<i32>} : memref<32x2048xf32, #tpu.memory_space<vmem>>, vector<16xf32>,
      tpu.vector_store %arg6[%swap3A_268, %swap3A_269], %broadcast_in_dim3A_47 {strides = array<i32>} : memref<32x2048xf32, #tpu.memory_space<vmem>>, vector<16xf32>,
      %swap3A_271 = arith.index_cast %scan3A_84 : i32 to index
      %swap3A_272 = arith.constant 992 : index
      %swap3A_273 = tpu.vector_load %arg6[%swap3A_271, %swap3A_272] {strides = array<i32>} : memref<32x2048xf32, #tpu.memory_space<vmem>>, vector<16xf32>,
      tpu.vector_store %arg6[%swap3A_271, %swap3A_272], %broadcast_in_dim3A_47 {strides = array<i32>} : memref<32x2048xf32, #tpu.memory_space<vmem>>, vector<16xf32>,
      %swap3A_274 = arith.index_cast %scan3A_84 : i32 to index
      %swap3A_275 = arith.constant 1008 : index
      %swap3A_276 = tpu.vector_load %arg6[%swap3A_274, %swap3A_275] {strides = array<i32>} : memref<32x2048xf32, #tpu.memory_space<vmem>>, vector<16xf32>,
      tpu.vector_store %arg6[%swap3A_274, %swap3A_275], %broadcast_in_dim3A_47 {strides = array<i32>} : memref<32x2048xf32, #tpu.memory_space<vmem>>, vector<16xf32>,
      %swap3A_277 = arith.index_cast %scan3A_84 : i32 to index
      %swap3A_278 = arith.constant 1024 : index
      %swap3A_279 = tpu.vector_load %arg6[%swap3A_277, %swap3A_278] {strides = array<i32>} : memref<32x2048xf32, #tpu.memory_space<vmem>>, vector<16xf32>,
      tpu.vector_store %arg6[%swap3A_277, %swap3A_278], %broadcast_in_dim3A_47 {strides = array<i32>} : memref<32x2048xf32, #tpu.memory_space<vmem>>, vector<16xf32>,
      %swap3A_280 = arith.index_cast %scan3A_84 : i32 to index
      %swap3A_281 = arith.constant 1040 : index
      %swap3A_282 = tpu.vector_load %arg6[%swap3A_280, %swap3A_281] {strides = array<i32>} : memref<32x2048xf32, #tpu.memory_space<vmem>>, vector<16xf32>,
      tpu.vector_store %arg6[%swap3A_280, %swap3A_281], %broadcast_in_dim3A_47 {strides = array<i32>} : memref<32x2048xf32, #tpu.memory_space<vmem>>, vector<16xf32>,
      %swap3A_283 = arith.index_cast %scan3A_84 : i32 to index
      %swap3A_284 = arith.constant 1056 : index
      %swap3A_285 = tpu.vector_load %arg6[%swap3A_283, %swap3A_284] {strides = array<i32>} : memref<32x2048xf32, #tpu.memory_space<vmem>>, vector<16xf32>,
      tpu.vector_store %arg6[%swap3A_283, %swap3A_284], %broadcast_in_dim3A_47 {strides = array<i32>} : memref<32x2048xf32, #tpu.memory_space<vmem>>, vector<16xf32>,
      %swap3A_286 = arith.index_cast %scan3A_84 : i32 to index
      %swap3A_287 = arith.constant 1072 : index
      %swap3A_288 = tpu.vector_load %arg6[%swap3A_286, %swap3A_287] {strides = array<i32>} : memref<32x2048xf32, #tpu.memory_space<vmem>>, vector<16xf32>,
      tpu.vector_store %arg6[%swap3A_286, %swap3A_287], %broadcast_in_dim3A_47 {strides = array<i32>} : memref<32x2048xf32, #tpu.memory_space<vmem>>, vector<16xf32>,
      %swap3A_289 = arith.index_cast %scan3A_84 : i32 to index
      %swap3A_290 = arith.constant 1088 : index
      %swap3A_291 = tpu.vector_load %arg6[%swap3A_289, %swap3A_290] {strides = array<i32>} : memref<32x2048xf32, #tpu.memory_space<vmem>>, vector<16xf32>,
      tpu.vector_store %arg6[%swap3A_289, %swap3A_290], %broadcast_in_dim3A_47 {strides = array<i32>} : memref<32x2048xf32, #tpu.memory_space<vmem>>, vector<16xf32>,
      %swap3A_292 = arith.index_cast %scan3A_84 : i32 to index
      %swap3A_293 = arith.constant 1104 : index
      %swap3A_294 = tpu.vector_load %arg6[%swap3A_292, %swap3A_293] {strides = array<i32>} : memref<32x2048xf32, #tpu.memory_space<vmem>>, vector<16xf32>,
      tpu.vector_store %arg6[%swap3A_292, %swap3A_293], %broadcast_in_dim3A_47 {strides = array<i32>} : memref<32x2048xf32, #tpu.memory_space<vmem>>, vector<16xf32>,
      %swap3A_295 = arith.index_cast %scan3A_84 : i32 to index
      %swap3A_296 = arith.constant 1120 : index
      %swap3A_297 = tpu.vector_load %arg6[%swap3A_295, %swap3A_296] {strides = array<i32>} : memref<32x2048xf32, #tpu.memory_space<vmem>>, vector<16xf32>,
      tpu.vector_store %arg6[%swap3A_295, %swap3A_296], %broadcast_in_dim3A_47 {strides = array<i32>} : memref<32x2048xf32, #tpu.memory_space<vmem>>, vector<16xf32>,
      %swap3A_298 = arith.index_cast %scan3A_84 : i32 to index
      %swap3A_299 = arith.constant 1136 : index
      %swap3A_300 = tpu.vector_load %arg6[%swap3A_298, %swap3A_299] {strides = array<i32>} : memref<32x2048xf32, #tpu.memory_space<vmem>>, vector<16xf32>,
      tpu.vector_store %arg6[%swap3A_298, %swap3A_299], %broadcast_in_dim3A_47 {strides = array<i32>} : memref<32x2048xf32, #tpu.memory_space<vmem>>, vector<16xf32>,
      %swap3A_301 = arith.index_cast %scan3A_84 : i32 to index
      %swap3A_302 = arith.constant 1152 : index
      %swap3A_303 = tpu.vector_load %arg6[%swap3A_301, %swap3A_302] {strides = array<i32>} : memref<32x2048xf32, #tpu.memory_space<vmem>>, vector<16xf32>,
      tpu.vector_store %arg6[%swap3A_301, %swap3A_302], %broadcast_in_dim3A_47 {strides = array<i32>} : memref<32x2048xf32, #tpu.memory_space<vmem>>, vector<16xf32>,
      %swap3A_304 = arith.index_cast %scan3A_84 : i32 to index
      %swap3A_305 = arith.constant 1168 : index
      %swap3A_306 = tpu.vector_load %arg6[%swap3A_304, %swap3A_305] {strides = array<i32>} : memref<32x2048xf32, #tpu.memory_space<vmem>>, vector<16xf32>,
      tpu.vector_store %arg6[%swap3A_304, %swap3A_305], %broadcast_in_dim3A_47 {strides = array<i32>} : memref<32x2048xf32, #tpu.memory_space<vmem>>, vector<16xf32>,
      %swap3A_307 = arith.index_cast %scan3A_84 : i32 to index
      %swap3A_308 = arith.constant 1184 : index
      %swap3A_309 = tpu.vector_load %arg6[%swap3A_307, %swap3A_308] {strides = array<i32>} : memref<32x2048xf32, #tpu.memory_space<vmem>>, vector<16xf32>,
      tpu.vector_store %arg6[%swap3A_307, %swap3A_308], %broadcast_in_dim3A_47 {strides = array<i32>} : memref<32x2048xf32, #tpu.memory_space<vmem>>, vector<16xf32>,
      %swap3A_310 = arith.index_cast %scan3A_84 : i32 to index
      %swap3A_311 = arith.constant 1200 : index
      %swap3A_312 = tpu.vector_load %arg6[%swap3A_310, %swap3A_311] {strides = array<i32>} : memref<32x2048xf32, #tpu.memory_space<vmem>>, vector<16xf32>,
      tpu.vector_store %arg6[%swap3A_310, %swap3A_311], %broadcast_in_dim3A_47 {strides = array<i32>} : memref<32x2048xf32, #tpu.memory_space<vmem>>, vector<16xf32>,
      %swap3A_313 = arith.index_cast %scan3A_84 : i32 to index
      %swap3A_314 = arith.constant 1216 : index
      %swap3A_315 = tpu.vector_load %arg6[%swap3A_313, %swap3A_314] {strides = array<i32>} : memref<32x2048xf32, #tpu.memory_space<vmem>>, vector<16xf32>,
      tpu.vector_store %arg6[%swap3A_313, %swap3A_314], %broadcast_in_dim3A_47 {strides = array<i32>} : memref<32x2048xf32, #tpu.memory_space<vmem>>, vector<16xf32>,
      %swap3A_316 = arith.index_cast %scan3A_84 : i32 to index
      %swap3A_317 = arith.constant 1232 : index
      %swap3A_318 = tpu.vector_load %arg6[%swap3A_316, %swap3A_317] {strides = array<i32>} : memref<32x2048xf32, #tpu.memory_space<vmem>>, vector<16xf32>,
      tpu.vector_store %arg6[%swap3A_316, %swap3A_317], %broadcast_in_dim3A_47 {strides = array<i32>} : memref<32x2048xf32, #tpu.memory_space<vmem>>, vector<16xf32>,
      %swap3A_319 = arith.index_cast %scan3A_84 : i32 to index
      %swap3A_320 = arith.constant 1248 : index
      %swap3A_321 = tpu.vector_load %arg6[%swap3A_319, %swap3A_320] {strides = array<i32>} : memref<32x2048xf32, #tpu.memory_space<vmem>>, vector<16xf32>,
      tpu.vector_store %arg6[%swap3A_319, %swap3A_320], %broadcast_in_dim3A_47 {strides = array<i32>} : memref<32x2048xf32, #tpu.memory_space<vmem>>, vector<16xf32>,
      %swap3A_322 = arith.index_cast %scan3A_84 : i32 to index
      %swap3A_323 = arith.constant 1264 : index
      %swap3A_324 = tpu.vector_load %arg6[%swap3A_322, %swap3A_323] {strides = array<i32>} : memref<32x2048xf32, #tpu.memory_space<vmem>>, vector<16xf32>,
      tpu.vector_store %arg6[%swap3A_322, %swap3A_323], %broadcast_in_dim3A_47 {strides = array<i32>} : memref<32x2048xf32, #tpu.memory_space<vmem>>, vector<16xf32>,
      %swap3A_325 = arith.index_cast %scan3A_84 : i32 to index
      %swap3A_326 = arith.constant 1280 : index
      %swap3A_327 = tpu.vector_load %arg6[%swap3A_325, %swap3A_326] {strides = array<i32>} : memref<32x2048xf32, #tpu.memory_space<vmem>>, vector<16xf32>,
      tpu.vector_store %arg6[%swap3A_325, %swap3A_326], %broadcast_in_dim3A_47 {strides = array<i32>} : memref<32x2048xf32, #tpu.memory_space<vmem>>, vector<16xf32>,
      %swap3A_328 = arith.index_cast %scan3A_84 : i32 to index
      %swap3A_329 = arith.constant 1296 : index
      %swap3A_330 = tpu.vector_load %arg6[%swap3A_328, %swap3A_329] {strides = array<i32>} : memref<32x2048xf32, #tpu.memory_space<vmem>>, vector<16xf32>,
      tpu.vector_store %arg6[%swap3A_328, %swap3A_329], %broadcast_in_dim3A_47 {strides = array<i32>} : memref<32x2048xf32, #tpu.memory_space<vmem>>, vector<16xf32>,
      %swap3A_331 = arith.index_cast %scan3A_84 : i32 to index
      %swap3A_332 = arith.constant 1312 : index
      %swap3A_333 = tpu.vector_load %arg6[%swap3A_331, %swap3A_332] {strides = array<i32>} : memref<32x2048xf32, #tpu.memory_space<vmem>>, vector<16xf32>,
      tpu.vector_store %arg6[%swap3A_331, %swap3A_332], %broadcast_in_dim3A_47 {strides = array<i32>} : memref<32x2048xf32, #tpu.memory_space<vmem>>, vector<16xf32>,
      %swap3A_334 = arith.index_cast %scan3A_84 : i32 to index
      %swap3A_335 = arith.constant 1328 : index
      %swap3A_336 = tpu.vector_load %arg6[%swap3A_334, %swap3A_335] {strides = array<i32>} : memref<32x2048xf32, #tpu.memory_space<vmem>>, vector<16xf32>,
      tpu.vector_store %arg6[%swap3A_334, %swap3A_335], %broadcast_in_dim3A_47 {strides = array<i32>} : memref<32x2048xf32, #tpu.memory_space<vmem>>, vector<16xf32>,
      %swap3A_337 = arith.index_cast %scan3A_84 : i32 to index
      %swap3A_338 = arith.constant 1344 : index
      %swap3A_339 = tpu.vector_load %arg6[%swap3A_337, %swap3A_338] {strides = array<i32>} : memref<32x2048xf32, #tpu.memory_space<vmem>>, vector<16xf32>,
      tpu.vector_store %arg6[%swap3A_337, %swap3A_338], %broadcast_in_dim3A_47 {strides = array<i32>} : memref<32x2048xf32, #tpu.memory_space<vmem>>, vector<16xf32>,
      %swap3A_340 = arith.index_cast %scan3A_84 : i32 to index
      %swap3A_341 = arith.constant 1360 : index
      %swap3A_342 = tpu.vector_load %arg6[%swap3A_340, %swap3A_341] {strides = array<i32>} : memref<32x2048xf32, #tpu.memory_space<vmem>>, vector<16xf32>,
      tpu.vector_store %arg6[%swap3A_340, %swap3A_341], %broadcast_in_dim3A_47 {strides = array<i32>} : memref<32x2048xf32, #tpu.memory_space<vmem>>, vector<16xf32>,
      %swap3A_343 = arith.index_cast %scan3A_84 : i32 to index
      %swap3A_344 = arith.constant 1376 : index
      %swap3A_345 = tpu.vector_load %arg6[%swap3A_343, %swap3A_344] {strides = array<i32>} : memref<32x2048xf32, #tpu.memory_space<vmem>>, vector<16xf32>,
      tpu.vector_store %arg6[%swap3A_343, %swap3A_344], %broadcast_in_dim3A_47 {strides = array<i32>} : memref<32x2048xf32, #tpu.memory_space<vmem>>, vector<16xf32>,
      %swap3A_346 = arith.index_cast %scan3A_84 : i32 to index
      %swap3A_347 = arith.constant 1392 : index
      %swap3A_348 = tpu.vector_load %arg6[%swap3A_346, %swap3A_347] {strides = array<i32>} : memref<32x2048xf32, #tpu.memory_space<vmem>>, vector<16xf32>,
      tpu.vector_store %arg6[%swap3A_346, %swap3A_347], %broadcast_in_dim3A_47 {strides = array<i32>} : memref<32x2048xf32, #tpu.memory_space<vmem>>, vector<16xf32>,
      %swap3A_349 = arith.index_cast %scan3A_84 : i32 to index
      %swap3A_350 = arith.constant 1408 : index
      %swap3A_351 = tpu.vector_load %arg6[%swap3A_349, %swap3A_350] {strides = array<i32>} : memref<32x2048xf32, #tpu.memory_space<vmem>>, vector<16xf32>,
      tpu.vector_store %arg6[%swap3A_349, %swap3A_350], %broadcast_in_dim3A_47 {strides = array<i32>} : memref<32x2048xf32, #tpu.memory_space<vmem>>, vector<16xf32>,
      %swap3A_352 = arith.index_cast %scan3A_84 : i32 to index
      %swap3A_353 = arith.constant 1424 : index
      %swap3A_354 = tpu.vector_load %arg6[%swap3A_352, %swap3A_353] {strides = array<i32>} : memref<32x2048xf32, #tpu.memory_space<vmem>>, vector<16xf32>,
      tpu.vector_store %arg6[%swap3A_352, %swap3A_353], %broadcast_in_dim3A_47 {strides = array<i32>} : memref<32x2048xf32, #tpu.memory_space<vmem>>, vector<16xf32>,
      %swap3A_355 = arith.index_cast %scan3A_84 : i32 to index
      %swap3A_356 = arith.constant 1440 : index
      %swap3A_357 = tpu.vector_load %arg6[%swap3A_355, %swap3A_356] {strides = array<i32>} : memref<32x2048xf32, #tpu.memory_space<vmem>>, vector<16xf32>,
      tpu.vector_store %arg6[%swap3A_355, %swap3A_356], %broadcast_in_dim3A_47 {strides = array<i32>} : memref<32x2048xf32, #tpu.memory_space<vmem>>, vector<16xf32>,
      %swap3A_358 = arith.index_cast %scan3A_84 : i32 to index
      %swap3A_359 = arith.constant 1456 : index
      %swap3A_360 = tpu.vector_load %arg6[%swap3A_358, %swap3A_359] {strides = array<i32>} : memref<32x2048xf32, #tpu.memory_space<vmem>>, vector<16xf32>,
      tpu.vector_store %arg6[%swap3A_358, %swap3A_359], %broadcast_in_dim3A_47 {strides = array<i32>} : memref<32x2048xf32, #tpu.memory_space<vmem>>, vector<16xf32>,
      %swap3A_361 = arith.index_cast %scan3A_84 : i32 to index
      %swap3A_362 = arith.constant 1472 : index
      %swap3A_363 = tpu.vector_load %arg6[%swap3A_361, %swap3A_362] {strides = array<i32>} : memref<32x2048xf32, #tpu.memory_space<vmem>>, vector<16xf32>,
      tpu.vector_store %arg6[%swap3A_361, %swap3A_362], %broadcast_in_dim3A_47 {strides = array<i32>} : memref<32x2048xf32, #tpu.memory_space<vmem>>, vector<16xf32>,
      %swap3A_364 = arith.index_cast %scan3A_84 : i32 to index
      %swap3A_365 = arith.constant 1488 : index
      %swap3A_366 = tpu.vector_load %arg6[%swap3A_364, %swap3A_365] {strides = array<i32>} : memref<32x2048xf32, #tpu.memory_space<vmem>>, vector<16xf32>,
      tpu.vector_store %arg6[%swap3A_364, %swap3A_365], %broadcast_in_dim3A_47 {strides = array<i32>} : memref<32x2048xf32, #tpu.memory_space<vmem>>, vector<16xf32>,
      %swap3A_367 = arith.index_cast %scan3A_84 : i32 to index
      %swap3A_368 = arith.constant 1504 : index
      %swap3A_369 = tpu.vector_load %arg6[%swap3A_367, %swap3A_368] {strides = array<i32>} : memref<32x2048xf32, #tpu.memory_space<vmem>>, vector<16xf32>,
      tpu.vector_store %arg6[%swap3A_367, %swap3A_368], %broadcast_in_dim3A_47 {strides = array<i32>} : memref<32x2048xf32, #tpu.memory_space<vmem>>, vector<16xf32>,
      %swap3A_370 = arith.index_cast %scan3A_84 : i32 to index
      %swap3A_371 = arith.constant 1520 : index
      %swap3A_372 = tpu.vector_load %arg6[%swap3A_370, %swap3A_371] {strides = array<i32>} : memref<32x2048xf32, #tpu.memory_space<vmem>>, vector<16xf32>,
      tpu.vector_store %arg6[%swap3A_370, %swap3A_371], %broadcast_in_dim3A_47 {strides = array<i32>} : memref<32x2048xf32, #tpu.memory_space<vmem>>, vector<16xf32>,
      %swap3A_373 = arith.index_cast %scan3A_84 : i32 to index
      %swap3A_374 = arith.constant 1536 : index
      %swap3A_375 = tpu.vector_load %arg6[%swap3A_373, %swap3A_374] {strides = array<i32>} : memref<32x2048xf32, #tpu.memory_space<vmem>>, vector<16xf32>,
      tpu.vector_store %arg6[%swap3A_373, %swap3A_374], %broadcast_in_dim3A_47 {strides = array<i32>} : memref<32x2048xf32, #tpu.memory_space<vmem>>, vector<16xf32>,
      %swap3A_376 = arith.index_cast %scan3A_84 : i32 to index
      %swap3A_377 = arith.constant 1552 : index
      %swap3A_378 = tpu.vector_load %arg6[%swap3A_376, %swap3A_377] {strides = array<i32>} : memref<32x2048xf32, #tpu.memory_space<vmem>>, vector<16xf32>,
      tpu.vector_store %arg6[%swap3A_376, %swap3A_377], %broadcast_in_dim3A_47 {strides = array<i32>} : memref<32x2048xf32, #tpu.memory_space<vmem>>, vector<16xf32>,
      %swap3A_379 = arith.index_cast %scan3A_84 : i32 to index
      %swap3A_380 = arith.constant 1568 : index
      %swap3A_381 = tpu.vector_load %arg6[%swap3A_379, %swap3A_380] {strides = array<i32>} : memref<32x2048xf32, #tpu.memory_space<vmem>>, vector<16xf32>,
      tpu.vector_store %arg6[%swap3A_379, %swap3A_380], %broadcast_in_dim3A_47 {strides = array<i32>} : memref<32x2048xf32, #tpu.memory_space<vmem>>, vector<16xf32>,
      %swap3A_382 = arith.index_cast %scan3A_84 : i32 to index
      %swap3A_383 = arith.constant 1584 : index
      %swap3A_384 = tpu.vector_load %arg6[%swap3A_382, %swap3A_383] {strides = array<i32>} : memref<32x2048xf32, #tpu.memory_space<vmem>>, vector<16xf32>,
      tpu.vector_store %arg6[%swap3A_382, %swap3A_383], %broadcast_in_dim3A_47 {strides = array<i32>} : memref<32x2048xf32, #tpu.memory_space<vmem>>, vector<16xf32>,
      %swap3A_385 = arith.index_cast %scan3A_84 : i32 to index
      %swap3A_386 = arith.constant 1600 : index
      %swap3A_387 = tpu.vector_load %arg6[%swap3A_385, %swap3A_386] {strides = array<i32>} : memref<32x2048xf32, #tpu.memory_space<vmem>>, vector<16xf32>,
      tpu.vector_store %arg6[%swap3A_385, %swap3A_386], %broadcast_in_dim3A_47 {strides = array<i32>} : memref<32x2048xf32, #tpu.memory_space<vmem>>, vector<16xf32>,
      %swap3A_388 = arith.index_cast %scan3A_84 : i32 to index
      %swap3A_389 = arith.constant 1616 : index
      %swap3A_390 = tpu.vector_load %arg6[%swap3A_388, %swap3A_389] {strides = array<i32>} : memref<32x2048xf32, #tpu.memory_space<vmem>>, vector<16xf32>,
      tpu.vector_store %arg6[%swap3A_388, %swap3A_389], %broadcast_in_dim3A_47 {strides = array<i32>} : memref<32x2048xf32, #tpu.memory_space<vmem>>, vector<16xf32>,
      %swap3A_391 = arith.index_cast %scan3A_84 : i32 to index
      %swap3A_392 = arith.constant 1632 : index
      %swap3A_393 = tpu.vector_load %arg6[%swap3A_391, %swap3A_392] {strides = array<i32>} : memref<32x2048xf32, #tpu.memory_space<vmem>>, vector<16xf32>,
      tpu.vector_store %arg6[%swap3A_391, %swap3A_392], %broadcast_in_dim3A_47 {strides = array<i32>} : memref<32x2048xf32, #tpu.memory_space<vmem>>, vector<16xf32>,
      %swap3A_394 = arith.index_cast %scan3A_84 : i32 to index
      %swap3A_395 = arith.constant 1648 : index
      %swap3A_396 = tpu.vector_load %arg6[%swap3A_394, %swap3A_395] {strides = array<i32>} : memref<32x2048xf32, #tpu.memory_space<vmem>>, vector<16xf32>,
      tpu.vector_store %arg6[%swap3A_394, %swap3A_395], %broadcast_in_dim3A_47 {strides = array<i32>} : memref<32x2048xf32, #tpu.memory_space<vmem>>, vector<16xf32>,
      %swap3A_397 = arith.index_cast %scan3A_84 : i32 to index
      %swap3A_398 = arith.constant 1664 : index
      %swap3A_399 = tpu.vector_load %arg6[%swap3A_397, %swap3A_398] {strides = array<i32>} : memref<32x2048xf32, #tpu.memory_space<vmem>>, vector<16xf32>,
      tpu.vector_store %arg6[%swap3A_397, %swap3A_398], %broadcast_in_dim3A_47 {strides = array<i32>} : memref<32x2048xf32, #tpu.memory_space<vmem>>, vector<16xf32>,
      %swap3A_400 = arith.index_cast %scan3A_84 : i32 to index
      %swap3A_401 = arith.constant 1680 : index
      %swap3A_402 = tpu.vector_load %arg6[%swap3A_400, %swap3A_401] {strides = array<i32>} : memref<32x2048xf32, #tpu.memory_space<vmem>>, vector<16xf32>,
      tpu.vector_store %arg6[%swap3A_400, %swap3A_401], %broadcast_in_dim3A_47 {strides = array<i32>} : memref<32x2048xf32, #tpu.memory_space<vmem>>, vector<16xf32>,
      %swap3A_403 = arith.index_cast %scan3A_84 : i32 to index
      %swap3A_404 = arith.constant 1696 : index
      %swap3A_405 = tpu.vector_load %arg6[%swap3A_403, %swap3A_404] {strides = array<i32>} : memref<32x2048xf32, #tpu.memory_space<vmem>>, vector<16xf32>,
      tpu.vector_store %arg6[%swap3A_403, %swap3A_404], %broadcast_in_dim3A_47 {strides = array<i32>} : memref<32x2048xf32, #tpu.memory_space<vmem>>, vector<16xf32>,
      %swap3A_406 = arith.index_cast %scan3A_84 : i32 to index
      %swap3A_407 = arith.constant 1712 : index
      %swap3A_408 = tpu.vector_load %arg6[%swap3A_406, %swap3A_407] {strides = array<i32>} : memref<32x2048xf32, #tpu.memory_space<vmem>>, vector<16xf32>,
      tpu.vector_store %arg6[%swap3A_406, %swap3A_407], %broadcast_in_dim3A_47 {strides = array<i32>} : memref<32x2048xf32, #tpu.memory_space<vmem>>, vector<16xf32>,
      %swap3A_409 = arith.index_cast %scan3A_84 : i32 to index
      %swap3A_410 = arith.constant 1728 : index
      %swap3A_411 = tpu.vector_load %arg6[%swap3A_409, %swap3A_410] {strides = array<i32>} : memref<32x2048xf32, #tpu.memory_space<vmem>>, vector<16xf32>,
      tpu.vector_store %arg6[%swap3A_409, %swap3A_410], %broadcast_in_dim3A_47 {strides = array<i32>} : memref<32x2048xf32, #tpu.memory_space<vmem>>, vector<16xf32>,
      %swap3A_412 = arith.index_cast %scan3A_84 : i32 to index
      %swap3A_413 = arith.constant 1744 : index
      %swap3A_414 = tpu.vector_load %arg6[%swap3A_412, %swap3A_413] {strides = array<i32>} : memref<32x2048xf32, #tpu.memory_space<vmem>>, vector<16xf32>,
      tpu.vector_store %arg6[%swap3A_412, %swap3A_413], %broadcast_in_dim3A_47 {strides = array<i32>} : memref<32x2048xf32, #tpu.memory_space<vmem>>, vector<16xf32>,
      %swap3A_415 = arith.index_cast %scan3A_84 : i32 to index
      %swap3A_416 = arith.constant 1760 : index
      %swap3A_417 = tpu.vector_load %arg6[%swap3A_415, %swap3A_416] {strides = array<i32>} : memref<32x2048xf32, #tpu.memory_space<vmem>>, vector<16xf32>,
      tpu.vector_store %arg6[%swap3A_415, %swap3A_416], %broadcast_in_dim3A_47 {strides = array<i32>} : memref<32x2048xf32, #tpu.memory_space<vmem>>, vector<16xf32>,
      %swap3A_418 = arith.index_cast %scan3A_84 : i32 to index
      %swap3A_419 = arith.constant 1776 : index
      %swap3A_420 = tpu.vector_load %arg6[%swap3A_418, %swap3A_419] {strides = array<i32>} : memref<32x2048xf32, #tpu.memory_space<vmem>>, vector<16xf32>,
      tpu.vector_store %arg6[%swap3A_418, %swap3A_419], %broadcast_in_dim3A_47 {strides = array<i32>} : memref<32x2048xf32, #tpu.memory_space<vmem>>, vector<16xf32>,
      %swap3A_421 = arith.index_cast %scan3A_84 : i32 to index
      %swap3A_422 = arith.constant 1792 : index
      %swap3A_423 = tpu.vector_load %arg6[%swap3A_421, %swap3A_422] {strides = array<i32>} : memref<32x2048xf32, #tpu.memory_space<vmem>>, vector<16xf32>,
      tpu.vector_store %arg6[%swap3A_421, %swap3A_422], %broadcast_in_dim3A_47 {strides = array<i32>} : memref<32x2048xf32, #tpu.memory_space<vmem>>, vector<16xf32>,
      %swap3A_424 = arith.index_cast %scan3A_84 : i32 to index
      %swap3A_425 = arith.constant 1808 : index
      %swap3A_426 = tpu.vector_load %arg6[%swap3A_424, %swap3A_425] {strides = array<i32>} : memref<32x2048xf32, #tpu.memory_space<vmem>>, vector<16xf32>,
      tpu.vector_store %arg6[%swap3A_424, %swap3A_425], %broadcast_in_dim3A_47 {strides = array<i32>} : memref<32x2048xf32, #tpu.memory_space<vmem>>, vector<16xf32>,
      %swap3A_427 = arith.index_cast %scan3A_84 : i32 to index
      %swap3A_428 = arith.constant 1824 : index
      %swap3A_429 = tpu.vector_load %arg6[%swap3A_427, %swap3A_428] {strides = array<i32>} : memref<32x2048xf32, #tpu.memory_space<vmem>>, vector<16xf32>,
      tpu.vector_store %arg6[%swap3A_427, %swap3A_428], %broadcast_in_dim3A_47 {strides = array<i32>} : memref<32x2048xf32, #tpu.memory_space<vmem>>, vector<16xf32>,
      %swap3A_430 = arith.index_cast %scan3A_84 : i32 to index
      %swap3A_431 = arith.constant 1840 : index
      %swap3A_432 = tpu.vector_load %arg6[%swap3A_430, %swap3A_431] {strides = array<i32>} : memref<32x2048xf32, #tpu.memory_space<vmem>>, vector<16xf32>,
      tpu.vector_store %arg6[%swap3A_430, %swap3A_431], %broadcast_in_dim3A_47 {strides = array<i32>} : memref<32x2048xf32, #tpu.memory_space<vmem>>, vector<16xf32>,
      %swap3A_433 = arith.index_cast %scan3A_84 : i32 to index
      %swap3A_434 = arith.constant 1856 : index
      %swap3A_435 = tpu.vector_load %arg6[%swap3A_433, %swap3A_434] {strides = array<i32>} : memref<32x2048xf32, #tpu.memory_space<vmem>>, vector<16xf32>,
      tpu.vector_store %arg6[%swap3A_433, %swap3A_434], %broadcast_in_dim3A_47 {strides = array<i32>} : memref<32x2048xf32, #tpu.memory_space<vmem>>, vector<16xf32>,
      %swap3A_436 = arith.index_cast %scan3A_84 : i32 to index
      %swap3A_437 = arith.constant 1872 : index
      %swap3A_438 = tpu.vector_load %arg6[%swap3A_436, %swap3A_437] {strides = array<i32>} : memref<32x2048xf32, #tpu.memory_space<vmem>>, vector<16xf32>,
      tpu.vector_store %arg6[%swap3A_436, %swap3A_437], %broadcast_in_dim3A_47 {strides = array<i32>} : memref<32x2048xf32, #tpu.memory_space<vmem>>, vector<16xf32>,
      %swap3A_439 = arith.index_cast %scan3A_84 : i32 to index
      %swap3A_440 = arith.constant 1888 : index
      %swap3A_441 = tpu.vector_load %arg6[%swap3A_439, %swap3A_440] {strides = array<i32>} : memref<32x2048xf32, #tpu.memory_space<vmem>>, vector<16xf32>,
      tpu.vector_store %arg6[%swap3A_439, %swap3A_440], %broadcast_in_dim3A_47 {strides = array<i32>} : memref<32x2048xf32, #tpu.memory_space<vmem>>, vector<16xf32>,
      %swap3A_442 = arith.index_cast %scan3A_84 : i32 to index
      %swap3A_443 = arith.constant 1904 : index
      %swap3A_444 = tpu.vector_load %arg6[%swap3A_442, %swap3A_443] {strides = array<i32>} : memref<32x2048xf32, #tpu.memory_space<vmem>>, vector<16xf32>,
      tpu.vector_store %arg6[%swap3A_442, %swap3A_443], %broadcast_in_dim3A_47 {strides = array<i32>} : memref<32x2048xf32, #tpu.memory_space<vmem>>, vector<16xf32>,
      %swap3A_445 = arith.index_cast %scan3A_84 : i32 to index
      %swap3A_446 = arith.constant 1920 : index
      %swap3A_447 = tpu.vector_load %arg6[%swap3A_445, %swap3A_446] {strides = array<i32>} : memref<32x2048xf32, #tpu.memory_space<vmem>>, vector<16xf32>,
      tpu.vector_store %arg6[%swap3A_445, %swap3A_446], %broadcast_in_dim3A_47 {strides = array<i32>} : memref<32x2048xf32, #tpu.memory_space<vmem>>, vector<16xf32>,
      %swap3A_448 = arith.index_cast %scan3A_84 : i32 to index
      %swap3A_449 = arith.constant 1936 : index
      %swap3A_450 = tpu.vector_load %arg6[%swap3A_448, %swap3A_449] {strides = array<i32>} : memref<32x2048xf32, #tpu.memory_space<vmem>>, vector<16xf32>,
      tpu.vector_store %arg6[%swap3A_448, %swap3A_449], %broadcast_in_dim3A_47 {strides = array<i32>} : memref<32x2048xf32, #tpu.memory_space<vmem>>, vector<16xf32>,
      %swap3A_451 = arith.index_cast %scan3A_84 : i32 to index
      %swap3A_452 = arith.constant 1952 : index
      %swap3A_453 = tpu.vector_load %arg6[%swap3A_451, %swap3A_452] {strides = array<i32>} : memref<32x2048xf32, #tpu.memory_space<vmem>>, vector<16xf32>,
      tpu.vector_store %arg6[%swap3A_451, %swap3A_452], %broadcast_in_dim3A_47 {strides = array<i32>} : memref<32x2048xf32, #tpu.memory_space<vmem>>, vector<16xf32>,
      %swap3A_454 = arith.index_cast %scan3A_84 : i32 to index
      %swap3A_455 = arith.constant 1968 : index
      %swap3A_456 = tpu.vector_load %arg6[%swap3A_454, %swap3A_455] {strides = array<i32>} : memref<32x2048xf32, #tpu.memory_space<vmem>>, vector<16xf32>,
      tpu.vector_store %arg6[%swap3A_454, %swap3A_455], %broadcast_in_dim3A_47 {strides = array<i32>} : memref<32x2048xf32, #tpu.memory_space<vmem>>, vector<16xf32>,
      %swap3A_457 = arith.index_cast %scan3A_84 : i32 to index
      %swap3A_458 = arith.constant 1984 : index
      %swap3A_459 = tpu.vector_load %arg6[%swap3A_457, %swap3A_458] {strides = array<i32>} : memref<32x2048xf32, #tpu.memory_space<vmem>>, vector<16xf32>,
      tpu.vector_store %arg6[%swap3A_457, %swap3A_458], %broadcast_in_dim3A_47 {strides = array<i32>} : memref<32x2048xf32, #tpu.memory_space<vmem>>, vector<16xf32>,
      %swap3A_460 = arith.index_cast %scan3A_84 : i32 to index
      %swap3A_461 = arith.constant 2000 : index
      %swap3A_462 = tpu.vector_load %arg6[%swap3A_460, %swap3A_461] {strides = array<i32>} : memref<32x2048xf32, #tpu.memory_space<vmem>>, vector<16xf32>,
      tpu.vector_store %arg6[%swap3A_460, %swap3A_461], %broadcast_in_dim3A_47 {strides = array<i32>} : memref<32x2048xf32, #tpu.memory_space<vmem>>, vector<16xf32>,
      %swap3A_463 = arith.index_cast %scan3A_84 : i32 to index
      %swap3A_464 = arith.constant 2016 : index
      %swap3A_465 = tpu.vector_load %arg6[%swap3A_463, %swap3A_464] {strides = array<i32>} : memref<32x2048xf32, #tpu.memory_space<vmem>>, vector<16xf32>,
      tpu.vector_store %arg6[%swap3A_463, %swap3A_464], %broadcast_in_dim3A_47 {strides = array<i32>} : memref<32x2048xf32, #tpu.memory_space<vmem>>, vector<16xf32>,
      %swap3A_466 = arith.index_cast %scan3A_84 : i32 to index
      %swap3A_467 = arith.constant 2032 : index
      %swap3A_468 = tpu.vector_load %arg6[%swap3A_466, %swap3A_467] {strides = array<i32>} : memref<32x2048xf32, #tpu.memory_space<vmem>>, vector<16xf32>,
      tpu.vector_store %arg6[%swap3A_466, %swap3A_467], %broadcast_in_dim3A_47 {strides = array<i32>} : memref<32x2048xf32, #tpu.memory_space<vmem>>, vector<16xf32>,
      %scan3A_469 = arith.constant 0 : i32
      scf.yield %scan3A_469 : i32
    }
    %scan3A_54 = arith.constant 32 : i32
    %slice3A_55 = vector.extract_strided_slice %get3A_3 {offsets = [1], sizes = [1], strides = [1]} : vector<16xi32> to vector<1xi32>
    %squeeze3A_56 = vector.extract %slice3A_55[0] : i32 from vector<1xi32>
    %slice3A_57 = vector.extract_strided_slice %get3A_3 {offsets = [2], sizes = [1], strides = [1]} : vector<16xi32> to vector<1xi32>
    %squeeze3A_58 = vector.extract %slice3A_57[0] : i32 from vector<1xi32>
    %shift_right_arithmetic3A_59 = arith.constant 3 : i32
    %shift_right_arithmetic3A_60 = arith.shrsi %squeeze3A_56, %shift_right_arithmetic3A_59 : i32
    %shift_left3A_61 = arith.constant 3 : i32
    %shift_left3A_62 = arith.shli %shift_right_arithmetic3A_60, %shift_left3A_61 : i32
    %multiple_of3A_63 = tpu.assume_multiple %shift_left3A_62, 8 : i32
    %sub3A_64 = arith.subi %squeeze3A_58, %multiple_of3A_63 : i32
    %add3A_65 = arith.constant 1023 : i32
    %add3A_66 = arith.addi %sub3A_64, %add3A_65 : i32
    %shift_right_arithmetic3A_67 = arith.constant 10 : i32
    %shift_right_arithmetic3A_68 = arith.shrsi %add3A_66, %shift_right_arithmetic3A_67 : i32
    %while3A_69 = arith.constant 0 : i32
    %while3A_70 = arith.constant 0 : i32
    %while3A_71 = arith.subi %shift_right_arithmetic3A_68, %while3A_69 : i32
    %while3A_72 = arith.addi %while3A_69, %while3A_71 : i32
    %while3A_73 = arith.constant 1 : i32
    %while3A_74 = arith.divsi %while3A_71, %while3A_73 : i32
    %while3A_75 = arith.muli %while3A_74, %while3A_73 : i32
    %while3A_76 = arith.addi %while3A_69, %while3A_75 : i32
    %while3A_77 = arith.constant 1 : i32
    %while3A_78 = scf.for %while3A_84 = %while3A_69 to %while3A_76 step %while3A_77 iter_args(%while3A_85 = %while3A_70) -> (i32)  : i32 {
      %mul3A_86 = arith.constant 1024 : i32
      %mul3A_87 = arith.muli %while3A_84, %mul3A_86 : i32
      %add3A_88 = arith.addi %multiple_of3A_63, %mul3A_87 : i32
      %multiple_of3A_89 = tpu.assume_multiple %add3A_88, 8 : i32
      "tpu.region"() ({
        %run_scoped3A = tpu.sem_alloc : memref<!tpu.dma_semaphore, #tpu.memory_space<semaphore_mem>>
        %dma_start3A = tpu.memref_slice %arg2[%multiple_of3A_89] : memref<43008xi32, #tpu.memory_space<hbm>> -> memref<1024xi32, #tpu.memory_space<hbm>>
        %dma_start3A_98 = tpu.memref_slice %arg2[%multiple_of3A_89] : memref<43008xi32, #tpu.memory_space<hbm>> -> memref<1024xi32, #tpu.memory_space<hbm>>
        tpu.enqueue_dma source(%dma_start3A_98 : memref<1024xi32, #tpu.memory_space<hbm>>) target(%arg7 : memref<1024xi32, #tpu.memory_space<vmem>>) target_semaphore(%run_scoped3A : memref<!tpu.dma_semaphore, #tpu.memory_space<semaphore_mem>>)
        %dma_wait3A = tpu.memref_slice %arg2[%multiple_of3A_89] : memref<43008xi32, #tpu.memory_space<hbm>> -> memref<1024xi32, #tpu.memory_space<hbm>>
        %dma_wait3A_99 = tpu.memref_slice %arg2[%multiple_of3A_89] : memref<43008xi32, #tpu.memory_space<hbm>> -> memref<1024xi32, #tpu.memory_space<hbm>>
        tpu.wait_dma2 semaphore(%run_scoped3A : memref<!tpu.dma_semaphore, #tpu.memory_space<semaphore_mem>>) src(%dma_wait3A_99 : memref<1024xi32, #tpu.memory_space<hbm>>) dst(%arg7 : memref<1024xi32, #tpu.memory_space<vmem>>)
        tpu.yield
      }) : () -> ()
      "tpu.region"() ({
        %run_scoped3A = tpu.sem_alloc : memref<!tpu.dma_semaphore, #tpu.memory_space<semaphore_mem>>
        %dma_start3A = tpu.memref_slice %arg3[%multiple_of3A_89] : memref<43008xf32, #tpu.memory_space<hbm>> -> memref<1024xf32, #tpu.memory_space<hbm>>
        %dma_start3A_98 = tpu.memref_slice %arg3[%multiple_of3A_89] : memref<43008xf32, #tpu.memory_space<hbm>> -> memref<1024xf32, #tpu.memory_space<hbm>>
        tpu.enqueue_dma source(%dma_start3A_98 : memref<1024xf32, #tpu.memory_space<hbm>>) target(%arg8 : memref<1024xf32, #tpu.memory_space<vmem>>) target_semaphore(%run_scoped3A : memref<!tpu.dma_semaphore, #tpu.memory_space<semaphore_mem>>)
        %dma_wait3A = tpu.memref_slice %arg3[%multiple_of3A_89] : memref<43008xf32, #tpu.memory_space<hbm>> -> memref<1024xf32, #tpu.memory_space<hbm>>
        %dma_wait3A_99 = tpu.memref_slice %arg3[%multiple_of3A_89] : memref<43008xf32, #tpu.memory_space<hbm>> -> memref<1024xf32, #tpu.memory_space<hbm>>
        tpu.wait_dma2 semaphore(%run_scoped3A : memref<!tpu.dma_semaphore, #tpu.memory_space<semaphore_mem>>) src(%dma_wait3A_99 : memref<1024xf32, #tpu.memory_space<hbm>>) dst(%arg8 : memref<1024xf32, #tpu.memory_space<vmem>>)
        tpu.yield
      }) : () -> ()
      %scan3A_90 = arith.constant 0 : i32
      %scan3A_91 = arith.constant 0 : i32
      %scan3A_92 = arith.constant 64 : i32
      %scan3A_93 = arith.addi %scan3A_91, %scan3A_92 : i32
      %scan3A_94 = arith.constant 1 : i32
      %scan3A_95 = scf.for %scan3A_98 = %scan3A_91 to %scan3A_93 step %scan3A_94 iter_args(%scan3A_99 = %scan3A_90) -> (i32)  : i32 {
        %mul3A_100 = arith.constant 16 : i32
        %mul3A_101 = arith.muli %scan3A_98, %mul3A_100 : i32
        %get3A_102 = arith.index_cast %mul3A_101 : i32 to index
        %get3A_103 = tpu.vector_load %arg7[%get3A_102] {strides = array<i32>} : memref<1024xi32, #tpu.memory_space<vmem>>, vector<16xi32>,
        %mul3A_104 = arith.constant 16 : i32
        %mul3A_105 = arith.muli %scan3A_98, %mul3A_104 : i32
        %get3A_106 = arith.index_cast %mul3A_105 : i32 to index
        %get3A_107 = tpu.vector_load %arg8[%get3A_106] {strides = array<i32>} : memref<1024xf32, #tpu.memory_space<vmem>>, vector<16xf32>,
        %ge3A = vector.broadcast %mul3A_45 : i32 to vector<16xi32>
        %ge3A_108 = arith.cmpi sge, %get3A_103, %ge3A : vector<16xi32>
        %add3A_109 = arith.constant 65536 : i32
        %add3A_110 = arith.addi %mul3A_45, %add3A_109 : i32
        %lt3A = vector.broadcast %add3A_110 : i32 to vector<16xi32>
        %lt3A_111 = arith.cmpi slt, %get3A_103, %lt3A : vector<16xi32>
        %and3A = arith.andi %ge3A_108, %lt3A_111 : vector<16xi1>
        %sub3A_112 = vector.broadcast %mul3A_45 : i32 to vector<16xi32>
        %sub3A_113 = arith.subi %get3A_103, %sub3A_112 : vector<16xi32>
        %jit3A = arith.constant 0 : i32
        %broadcast_in_dim3A_114 = vector.broadcast %jit3A : i32 to vector<16xi32>
        %select_n3A = arith.select %and3A, %sub3A_113, %broadcast_in_dim3A_114 : vector<16xi1>, vector<16xi32>
        %shift_right_arithmetic3A_115 = arith.constant 11 : i32
        %shift_right_arithmetic3A_116 = vector.broadcast %shift_right_arithmetic3A_115 : i32 to vector<16xi32>
        %shift_right_arithmetic3A_117 = arith.shrsi %select_n3A, %shift_right_arithmetic3A_116 : vector<16xi32>
        %and3A_118 = arith.constant 2047 : i32
        %and3A_119 = vector.broadcast %and3A_118 : i32 to vector<16xi32>
        %and3A_120 = arith.andi %select_n3A, %and3A_119 : vector<16xi32>
        tpu.vector_store_idx %arg6[%shift_right_arithmetic3A_117, %and3A_120], %get3A_107 masked %and3A : memref<32x2048xf32, #tpu.memory_space<vmem>>[vector<16xi32>, vector<16xi32>], vector<16xf32>, vector<16xi1>
        %scan3A_121 = arith.constant 0 : i32
        scf.yield %scan3A_121 : i32
      }
      %scan3A_96 = arith.constant 64 : i32
      %while3A_97 = arith.constant 0 : i32
      scf.yield %while3A_97 : i32
    }
    %while3A_79 = arith.constant 1 : i32
    %while3A_80 = scf.for %while3A_84 = %while3A_76 to %while3A_72 step %while3A_79 iter_args(%while3A_85 = %while3A_78) -> (i32)  : i32 {
      %mul3A_86 = arith.constant 1024 : i32
      %mul3A_87 = arith.muli %while3A_84, %mul3A_86 : i32
      %add3A_88 = arith.addi %multiple_of3A_63, %mul3A_87 : i32
      %multiple_of3A_89 = tpu.assume_multiple %add3A_88, 8 : i32
      "tpu.region"() ({
        %run_scoped3A = tpu.sem_alloc : memref<!tpu.dma_semaphore, #tpu.memory_space<semaphore_mem>>
        %dma_start3A = tpu.memref_slice %arg2[%multiple_of3A_89] : memref<43008xi32, #tpu.memory_space<hbm>> -> memref<1024xi32, #tpu.memory_space<hbm>>
        %dma_start3A_98 = tpu.memref_slice %arg2[%multiple_of3A_89] : memref<43008xi32, #tpu.memory_space<hbm>> -> memref<1024xi32, #tpu.memory_space<hbm>>
        tpu.enqueue_dma source(%dma_start3A_98 : memref<1024xi32, #tpu.memory_space<hbm>>) target(%arg7 : memref<1024xi32, #tpu.memory_space<vmem>>) target_semaphore(%run_scoped3A : memref<!tpu.dma_semaphore, #tpu.memory_space<semaphore_mem>>)
        %dma_wait3A = tpu.memref_slice %arg2[%multiple_of3A_89] : memref<43008xi32, #tpu.memory_space<hbm>> -> memref<1024xi32, #tpu.memory_space<hbm>>
        %dma_wait3A_99 = tpu.memref_slice %arg2[%multiple_of3A_89] : memref<43008xi32, #tpu.memory_space<hbm>> -> memref<1024xi32, #tpu.memory_space<hbm>>
        tpu.wait_dma2 semaphore(%run_scoped3A : memref<!tpu.dma_semaphore, #tpu.memory_space<semaphore_mem>>) src(%dma_wait3A_99 : memref<1024xi32, #tpu.memory_space<hbm>>) dst(%arg7 : memref<1024xi32, #tpu.memory_space<vmem>>)
        tpu.yield
      }) : () -> ()
      "tpu.region"() ({
        %run_scoped3A = tpu.sem_alloc : memref<!tpu.dma_semaphore, #tpu.memory_space<semaphore_mem>>
        %dma_start3A = tpu.memref_slice %arg3[%multiple_of3A_89] : memref<43008xf32, #tpu.memory_space<hbm>> -> memref<1024xf32, #tpu.memory_space<hbm>>
        %dma_start3A_98 = tpu.memref_slice %arg3[%multiple_of3A_89] : memref<43008xf32, #tpu.memory_space<hbm>> -> memref<1024xf32, #tpu.memory_space<hbm>>
        tpu.enqueue_dma source(%dma_start3A_98 : memref<1024xf32, #tpu.memory_space<hbm>>) target(%arg8 : memref<1024xf32, #tpu.memory_space<vmem>>) target_semaphore(%run_scoped3A : memref<!tpu.dma_semaphore, #tpu.memory_space<semaphore_mem>>)
        %dma_wait3A = tpu.memref_slice %arg3[%multiple_of3A_89] : memref<43008xf32, #tpu.memory_space<hbm>> -> memref<1024xf32, #tpu.memory_space<hbm>>
        %dma_wait3A_99 = tpu.memref_slice %arg3[%multiple_of3A_89] : memref<43008xf32, #tpu.memory_space<hbm>> -> memref<1024xf32, #tpu.memory_space<hbm>>
        tpu.wait_dma2 semaphore(%run_scoped3A : memref<!tpu.dma_semaphore, #tpu.memory_space<semaphore_mem>>) src(%dma_wait3A_99 : memref<1024xf32, #tpu.memory_space<hbm>>) dst(%arg8 : memref<1024xf32, #tpu.memory_space<vmem>>)
        tpu.yield
      }) : () -> ()
      %scan3A_90 = arith.constant 0 : i32
      %scan3A_91 = arith.constant 0 : i32
      %scan3A_92 = arith.constant 64 : i32
      %scan3A_93 = arith.addi %scan3A_91, %scan3A_92 : i32
      %scan3A_94 = arith.constant 1 : i32
      %scan3A_95 = scf.for %scan3A_98 = %scan3A_91 to %scan3A_93 step %scan3A_94 iter_args(%scan3A_99 = %scan3A_90) -> (i32)  : i32 {
        %mul3A_100 = arith.constant 16 : i32
        %mul3A_101 = arith.muli %scan3A_98, %mul3A_100 : i32
        %get3A_102 = arith.index_cast %mul3A_101 : i32 to index
        %get3A_103 = tpu.vector_load %arg7[%get3A_102] {strides = array<i32>} : memref<1024xi32, #tpu.memory_space<vmem>>, vector<16xi32>,
        %mul3A_104 = arith.constant 16 : i32
        %mul3A_105 = arith.muli %scan3A_98, %mul3A_104 : i32
        %get3A_106 = arith.index_cast %mul3A_105 : i32 to index
        %get3A_107 = tpu.vector_load %arg8[%get3A_106] {strides = array<i32>} : memref<1024xf32, #tpu.memory_space<vmem>>, vector<16xf32>,
        %ge3A = vector.broadcast %mul3A_45 : i32 to vector<16xi32>
        %ge3A_108 = arith.cmpi sge, %get3A_103, %ge3A : vector<16xi32>
        %add3A_109 = arith.constant 65536 : i32
        %add3A_110 = arith.addi %mul3A_45, %add3A_109 : i32
        %lt3A = vector.broadcast %add3A_110 : i32 to vector<16xi32>
        %lt3A_111 = arith.cmpi slt, %get3A_103, %lt3A : vector<16xi32>
        %and3A = arith.andi %ge3A_108, %lt3A_111 : vector<16xi1>
        %sub3A_112 = vector.broadcast %mul3A_45 : i32 to vector<16xi32>
        %sub3A_113 = arith.subi %get3A_103, %sub3A_112 : vector<16xi32>
        %jit3A = arith.constant 0 : i32
        %broadcast_in_dim3A_114 = vector.broadcast %jit3A : i32 to vector<16xi32>
        %select_n3A = arith.select %and3A, %sub3A_113, %broadcast_in_dim3A_114 : vector<16xi1>, vector<16xi32>
        %shift_right_arithmetic3A_115 = arith.constant 11 : i32
        %shift_right_arithmetic3A_116 = vector.broadcast %shift_right_arithmetic3A_115 : i32 to vector<16xi32>
        %shift_right_arithmetic3A_117 = arith.shrsi %select_n3A, %shift_right_arithmetic3A_116 : vector<16xi32>
        %and3A_118 = arith.constant 2047 : i32
        %and3A_119 = vector.broadcast %and3A_118 : i32 to vector<16xi32>
        %and3A_120 = arith.andi %select_n3A, %and3A_119 : vector<16xi32>
        tpu.vector_store_idx %arg6[%shift_right_arithmetic3A_117, %and3A_120], %get3A_107 masked %and3A : memref<32x2048xf32, #tpu.memory_space<vmem>>[vector<16xi32>, vector<16xi32>], vector<16xf32>, vector<16xi1>
        %scan3A_121 = arith.constant 0 : i32
        scf.yield %scan3A_121 : i32
      }
      %scan3A_96 = arith.constant 64 : i32
      %while3A_97 = arith.constant 0 : i32
      scf.yield %while3A_97 : i32
    }
    %mul3A_81 = arith.constant 32 : i32
    %mul3A_82 = arith.muli %add3A_43, %mul3A_81 : i32
    %multiple_of3A_83 = tpu.assume_multiple %mul3A_82, 8 : i32
    "tpu.region"() ({
      %run_scoped3A = tpu.sem_alloc : memref<!tpu.dma_semaphore, #tpu.memory_space<semaphore_mem>>
      %dma_start3A = arith.constant 0 : i32
      %dma_start3A_84 = tpu.memref_slice %arg5[%multiple_of3A_83, %dma_start3A] : memref<2048x2048xf32, #tpu.memory_space<hbm>> -> memref<32x2048xf32, #tpu.memory_space<hbm>>
      %dma_start3A_85 = arith.constant 0 : i32
      %dma_start3A_86 = tpu.memref_slice %arg5[%multiple_of3A_83, %dma_start3A_85] : memref<2048x2048xf32, #tpu.memory_space<hbm>> -> memref<32x2048xf32, #tpu.memory_space<hbm>>
      tpu.enqueue_dma source(%arg6 : memref<32x2048xf32, #tpu.memory_space<vmem>>) target(%dma_start3A_86 : memref<32x2048xf32, #tpu.memory_space<hbm>>) target_semaphore(%run_scoped3A : memref<!tpu.dma_semaphore, #tpu.memory_space<semaphore_mem>>)
      %dma_wait3A = arith.constant 0 : i32
      %dma_wait3A_87 = tpu.memref_slice %arg5[%multiple_of3A_83, %dma_wait3A] : memref<2048x2048xf32, #tpu.memory_space<hbm>> -> memref<32x2048xf32, #tpu.memory_space<hbm>>
      %dma_wait3A_88 = arith.constant 0 : i32
      %dma_wait3A_89 = tpu.memref_slice %arg5[%multiple_of3A_83, %dma_wait3A_88] : memref<2048x2048xf32, #tpu.memory_space<hbm>> -> memref<32x2048xf32, #tpu.memory_space<hbm>>
      tpu.wait_dma2 semaphore(%run_scoped3A : memref<!tpu.dma_semaphore, #tpu.memory_space<semaphore_mem>>) src(%arg6 : memref<32x2048xf32, #tpu.memory_space<vmem>>) dst(%dma_wait3A_89 : memref<32x2048xf32, #tpu.memory_space<hbm>>)
      tpu.yield
    }) : () -> ()
    return
  }
}

module attributes {stable_mosaic.version = 14 : i64} {
  func.func @_mm_body(%arg0: i32, %arg1: memref<512x2048xf32, #tpu.memory_space<vmem>>, %arg2: memref<2048x2048xf32, #tpu.memory_space<vmem>>, %arg3: memref<2048x64xf32, #tpu.memory_space<vmem>>, %arg4: memref<64x2048xf32, #tpu.memory_space<vmem>>, %arg5: memref<1x2048xf32, #tpu.memory_space<vmem>>, %arg6: memref<512x2048xf32, #tpu.memory_space<vmem>>, %arg7: memref<2048x2048xbf16, #tpu.memory_space<vmem>>) attributes {dimension_semantics = [#tpu.dimension_semantics<arbitrary>], iteration_bounds = array<i64: 8>, scalar_prefetch = 0 : i64, scratch_operands = 1 : i64, tpu.core_type = #tpu.core_type<tc>, window_params = [{transform_indices = @transform_0, window_bounds = array<i64: 512, 2048>}, {pipeline_mode = #tpu.pipeline_mode<synchronous>, transform_indices = @transform_1, window_bounds = array<i64: 2048, 2048>}, {pipeline_mode = #tpu.pipeline_mode<synchronous>, transform_indices = @transform_2, window_bounds = array<i64: 2048, 64>}, {pipeline_mode = #tpu.pipeline_mode<synchronous>, transform_indices = @transform_3, window_bounds = array<i64: 64, 2048>}, {pipeline_mode = #tpu.pipeline_mode<synchronous>, transform_indices = @transform_4, window_bounds = array<i64: 1, 2048>}, {transform_indices = @transform_5, window_bounds = array<i64: 512, 2048>}]} {
    %eq3A = arith.constant 0 : i32
    %eq3A_0 = arith.cmpi eq, %arg0, %eq3A : i32
    %convert_element_type3A = arith.extui %eq3A_0 : i1 to i32
    %cond3A = arith.constant 0 : i32
    %cond3A_1 = arith.cmpi ne, %convert_element_type3A, %cond3A : i32
    scf.if %cond3A_1 {
      %get3A_15 = arith.constant 0 : index
      %get3A_16 = arith.constant 0 : index
      %get3A_17 = vector.load %arg3[%get3A_15, %get3A_16] : memref<2048x64xf32, #tpu.memory_space<vmem>>, vector<2048x64xf32>
      %mul3A = arith.constant 2.500000e-01 : f32
      %mul3A_18 = vector.broadcast %mul3A : f32 to vector<2048x64xf32>
      %mul3A_19 = arith.mulf %get3A_17, %mul3A_18 : vector<2048x64xf32>
      %convert_element_type3A_20 = arith.truncf %mul3A_19 : vector<2048x64xf32> to vector<2048x64xbf16>
      %get3A_21 = arith.constant 0 : index
      %get3A_22 = arith.constant 0 : index
      %get3A_23 = vector.load %arg4[%get3A_21, %get3A_22] : memref<64x2048xf32, #tpu.memory_space<vmem>>, vector<64x2048xf32>
      %convert_element_type3A_24 = arith.truncf %get3A_23 : vector<64x2048xf32> to vector<64x2048xbf16>
      %dot_general3A_25 = arith.constant dense<0.000000e+00> : vector<2048x2048xf32>
      %dot_general3A_26 = tpu.matmul %convert_element_type3A_20, %convert_element_type3A_24, %dot_general3A_25 {dimension_numbers = #tpu.dot_dimension_numbers<[1], [0], [0], [1], [0, 0, 1, 1], [], []>, transpose_lhs_hint = false} : vector<2048x64xbf16>, vector<64x2048xbf16>, vector<2048x2048xf32> -> vector<2048x2048xf32>
      %get3A_27 = arith.constant 0 : index
      %get3A_28 = arith.constant 0 : index
      %get3A_29 = vector.load %arg2[%get3A_27, %get3A_28] : memref<2048x2048xf32, #tpu.memory_space<vmem>>, vector<2048x2048xf32>
      %add3A_30 = arith.addf %get3A_29, %dot_general3A_26 : vector<2048x2048xf32>
      %convert_element_type3A_31 = arith.truncf %add3A_30 : vector<2048x2048xf32> to vector<2048x2048xbf16>
      %swap3A_32 = arith.constant 0 : index
      %swap3A_33 = arith.constant 0 : index
      %swap3A_34 = vector.load %arg7[%swap3A_32, %swap3A_33] : memref<2048x2048xbf16, #tpu.memory_space<vmem>>, vector<2048x2048xbf16>
      tpu.vector_store %arg7[%swap3A_32, %swap3A_33], %convert_element_type3A_31 {strides = array<i32>} : memref<2048x2048xbf16, #tpu.memory_space<vmem>>, vector<2048x2048xbf16>,
    } else {
    }
    %get3A = arith.constant 0 : index
    %get3A_2 = arith.constant 0 : index
    %get3A_3 = vector.load %arg1[%get3A, %get3A_2] : memref<512x2048xf32, #tpu.memory_space<vmem>>, vector<512x2048xf32>
    %convert_element_type3A_4 = arith.truncf %get3A_3 : vector<512x2048xf32> to vector<512x2048xbf16>
    %get3A_5 = arith.constant 0 : index
    %get3A_6 = arith.constant 0 : index
    %get3A_7 = vector.load %arg7[%get3A_5, %get3A_6] : memref<2048x2048xbf16, #tpu.memory_space<vmem>>, vector<2048x2048xbf16>
    %dot_general3A = arith.constant dense<0.000000e+00> : vector<512x2048xf32>
    %dot_general3A_8 = tpu.matmul %convert_element_type3A_4, %get3A_7, %dot_general3A {dimension_numbers = #tpu.dot_dimension_numbers<[1], [1], [0], [0], [0, 0, 1, 0], [], []>, transpose_lhs_hint = false} : vector<512x2048xbf16>, vector<2048x2048xbf16>, vector<512x2048xf32> -> vector<512x2048xf32>
    %get3A_9 = arith.constant 0 : index
    %get3A_10 = arith.constant 0 : index
    %get3A_11 = vector.load %arg5[%get3A_9, %get3A_10] : memref<1x2048xf32, #tpu.memory_space<vmem>>, vector<1x2048xf32>
    %add3A = vector.broadcast %get3A_11 : vector<1x2048xf32> to vector<512x2048xf32>
    %add3A_12 = arith.addf %dot_general3A_8, %add3A : vector<512x2048xf32>
    %swap3A = arith.constant 0 : index
    %swap3A_13 = arith.constant 0 : index
    %swap3A_14 = vector.load %arg6[%swap3A, %swap3A_13] : memref<512x2048xf32, #tpu.memory_space<vmem>>, vector<512x2048xf32>
    tpu.vector_store %arg6[%swap3A, %swap3A_13], %add3A_12 {strides = array<i32>} : memref<512x2048xf32, #tpu.memory_space<vmem>>, vector<512x2048xf32>,
    return
  }
  func.func @transform_0(%arg0: i32) -> (i32, i32) {
    %c0_i32 = arith.constant 0 : i32
    %c0_i32_0 = arith.constant 0 : i32
    return %arg0, %c0_i32 : i32, i32
  }
  func.func @transform_1(%arg0: i32) -> (i32, i32) {
    %c0_i32 = arith.constant 0 : i32
    %c0_i32_0 = arith.constant 0 : i32
    %c0_i32_1 = arith.constant 0 : i32
    return %c0_i32, %c0_i32_0 : i32, i32
  }
  func.func @transform_2(%arg0: i32) -> (i32, i32) {
    %c0_i32 = arith.constant 0 : i32
    %c0_i32_0 = arith.constant 0 : i32
    %c0_i32_1 = arith.constant 0 : i32
    return %c0_i32, %c0_i32_0 : i32, i32
  }
  func.func @transform_3(%arg0: i32) -> (i32, i32) {
    %c0_i32 = arith.constant 0 : i32
    %c0_i32_0 = arith.constant 0 : i32
    %c0_i32_1 = arith.constant 0 : i32
    return %c0_i32, %c0_i32_0 : i32, i32
  }
  func.func @transform_4(%arg0: i32) -> (i32, i32) {
    %c0_i32 = arith.constant 0 : i32
    %c0_i32_0 = arith.constant 0 : i32
    %c0_i32_1 = arith.constant 0 : i32
    return %c0_i32, %c0_i32_0 : i32, i32
  }
  func.func @transform_5(%arg0: i32) -> (i32, i32) {
    %c0_i32 = arith.constant 0 : i32
    %c0_i32_0 = arith.constant 0 : i32
    return %arg0, %c0_i32 : i32, i32
  }
}

</mosaic_0001>

<sc_bundles>
// kernel: kernel.4.cloned.1.call-start
scs
__scs_entry_jumppad:
0x0: {  	(pc) =	sbr.rel $0x88, $3  }
0x1: {  	(tag) =	ssettag $0x0;
	lr =	simm.s32 $0x1  }
0x2: {  	[smem:$0x3F9B] =	sst lr;
	_ =	strace $0xD0000000  }
0x3: {  	_ = 	snop  }
0x4: {  	_ = 	snop  }
0x5: {  	_ = 	snop  }
0x6: {  	_ = 	snop  }
0x7: {  	_ = 	snop  }
__scs_overlays_trampoline_lowered:
0x8: {  	[smem:$0x3FAA] =	sst s0  }
0x9: {  	[smem:$0x3FAB] =	sst s1  }
0xa: {  	[smem:$0x3FAC] =	sst s2  }
0xb: {  	[smem:$0x3FAD] =	sst s3  }
0xc: {  	[smem:$0x3FAE] =	sst s4  }
0xd: {  	[smem:$0x3FAF] =	sst s5  }
0xe: {  	[smem:$0x3FB0] =	sst s6  }
0xf: {  	[smem:$0x3FB1] =	sst s7  }
0x10: {  	[smem:$0x3FB2] =	sst s8  }
0x11: {  	[smem:$0x3FB3] =	sst s9;
	s0 =	simm.s32 @!p0 $0x0  }
0x12: {  	s1 =	sld [smem:$0x3F99];
	s0 =	simm.s32 @p0 $0x1  }
0x13: {  	[smem:$0x3FB4] =	sst s0;
	s0 =	simm.s32 @!p1 $0x0  }
0x14: {  	s2 =	sld [smem:$0x3F98];
	s0 =	simm.s32 @p1 $0x1  }
0x15: {  	[smem:$0x3FB5] =	sst s0;
	s0 =	simm.s32 @!p2 $0x0  }
0x16: {  	s3 =	sld [smem:$0x3FDB];
	s0 =	simm.s32 @p2 $0x1  }
0x17: {  	s4 =	simm.s32 $0x1BF5;
	[smem:$0x3FB7] =	sst s0  }
0x18: {  	s0 =	sld [smem:$0x3F9A];
	_ =	swait.ge [sflag:s4], $0x0  }
0x19: {  	s7 =	sld [smem:$0x3F9B]  }
0x1a: {  	s8 =	sadd.s32 $0xFFFFE003, lr  }
0x1b: {  	s9 =	sadd.s32 $0xFFFFFEF7, lr;
	s5 =	simm.s32 $0xFFFFFFFF;
	p2 =	slt.u32 s8, $0xFFFFF086  }
0x1c: {  	p1 =	slt.u32 s9, $0xF7A;
	s5 =	simm.s32 @!p2 $0x0  }
0x1d: {  	s5 =	simm.s32 @p1 $0x1;
	p0 =	seq.s32 s7, s2  }
0x1e: {  	s7 =	smul.u32 @!p0 $0xF7A, s2;
	p2 =	seq.s32 @!p0 s5, $0x0  }
0x1f: {  	s9 =	smul.u32 $0xF7A, s1;
	s8 =	simm.s32 @!p0 $0x1BF5;
	p2 =	por !p2, p0  }
0x20: {  	[sflag:s8] =	ssyncset.s32 @!p0 $0xFFFFF086;
	s6 =	sadd.s32 @!p0 s3, s7;
	s7 =	simm.s32 @!p0 $0x108  }
0x21: {  	s3 =	sadd.s32 s3, s9;
	s6 =	sadd.s32 @!p0 $0x88, s6;
	s7 =	simm.s32 @p2 $0x1082  }
0x22: {  	[simem:s7], [sflag:s8] =	dma.local @!p0 [hbm:s6], $0xF7A  }
0x23: {  	s9 =	sor.u32 $0xD0000000, s2;
	s6 =	simm.s32 $0x108;
	_ =	swait.ge @!p0 [sflag:s8], $0x0  }
0x24: {  	s3 =	sadd.s32 $0x88, s3;
	s6 =	simm.s32 @!p1 $0x1082;
	[sflag:s4] =	ssyncset.s32 $0xFFFFF086  }
0x25: {  	[simem:s6], [sflag:s4] =	dma.local [hbm:s3], $0xF7A  }
0x26: {  	[smem:$0x3F9B] =	sst s1;
	(tag) =	ssettag s2;
	_ =	strace s9  }
0x27: {  	s1 =	sld [smem:$0x3FAB]  }
0x28: {  	s2 =	sld [smem:$0x3FAC]  }
0x29: {  	s4 =	sld [smem:$0x3FAE]  }
0x2a: {  	p0 =	seq.s32 s5, $0x0;
	s5 =	sld [smem:$0x3FAF]  }
0x2b: {  	s6 =	sld [smem:$0x3FB0]  }
0x2c: {  	s7 =	sld [smem:$0x3FB1]  }
0x2d: {  	s3 =	simm.s32 $0x108;
	s8 =	sld [smem:$0x3FB2]  }
0x2e: {  	s3 =	simm.s32 @!p0 $0x1082;
	s9 =	sld [smem:$0x3FB3]  }
0x2f: {  	lr =	sadd.s32 s0, s3;
	s0 =	sld [smem:$0x3FAA]  }
0x30: {  	s3 =	sld [smem:$0x3FAD]  }
0x31: {  	[smem:$0x3FB6] =	sst s10  }
0x32: {  	s10 =	sld [smem:$0x3FB4];
	_ =	sdelay $0x3  }
0x33: {  	p0 =	seq.s32 s10, $0x1;
	s10 =	sld [smem:$0x3FB6];
	_ =	sdelay $0x3  }
0x34: {  	[smem:$0x3FB6] =	sst s10  }
0x35: {  	s10 =	sld [smem:$0x3FB5];
	_ =	sdelay $0x3  }
0x36: {  	p1 =	seq.s32 s10, $0x1;
	s10 =	sld [smem:$0x3FB6];
	_ =	sdelay $0x3  }
0x37: {  	[smem:$0x3FB6] =	sst s10  }
0x38: {  	s10 =	sld [smem:$0x3FB7]  }
0x39: {  	_ = 	snop;
	(pc) =	sbr.ind lr, $3  }
0x3a: {  	_ = 	snop  }
0x3b: {  	_ = 	snop  }
0x3c: {  	p2 =	seq.s32 s10, $0x1;
	s10 =	sld [smem:$0x3FB6]  }
0x3d: {  	_ =	shalt  }
0x3e: {  	_ =	shalt  }
0x3f: {  	_ =	shalt  }
0x40: {  	_ =	shalt  }
0x41: {  	_ =	shalt  }
0x42: {  	_ =	shalt  }
0x43: {  	_ =	shalt  }
0x44: {  	_ =	shalt  }
0x45: {  	_ =	shalt  }
0x46: {  	_ =	shalt  }
0x47: {  	_ =	shalt  }
0x48: {  	_ =	shalt  }
0x49: {  	_ =	shalt  }
0x4a: {  	_ =	shalt  }
0x4b: {  	_ =	shalt  }
0x4c: {  	_ =	shalt  }
0x4d: {  	_ =	shalt  }
0x4e: {  	_ =	shalt  }
0x4f: {  	_ =	shalt  }
0x50: {  	_ =	shalt  }
0x51: {  	_ =	shalt  }
0x52: {  	_ =	shalt  }
0x53: {  	_ =	shalt  }
0x54: {  	_ =	shalt  }
0x55: {  	_ =	shalt  }
0x56: {  	_ =	shalt  }
0x57: {  	_ =	shalt  }
0x58: {  	_ =	shalt  }
0x59: {  	_ =	shalt  }
0x5a: {  	_ =	shalt  }
0x5b: {  	_ =	shalt  }
0x5c: {  	_ =	shalt  }
0x5d: {  	_ =	shalt  }
0x5e: {  	_ =	shalt  }
0x5f: {  	_ =	shalt  }
0x60: {  	_ =	shalt  }
0x61: {  	_ =	shalt  }
0x62: {  	_ =	shalt  }
0x63: {  	_ =	shalt  }
0x64: {  	_ =	shalt  }
0x65: {  	_ =	shalt  }
0x66: {  	_ =	shalt  }
0x67: {  	_ =	shalt  }
0x68: {  	_ =	shalt  }
0x69: {  	_ =	shalt  }
0x6a: {  	_ =	shalt  }
0x6b: {  	_ =	shalt  }
0x6c: {  	_ =	shalt  }
0x6d: {  	_ =	shalt  }
0x6e: {  	_ =	shalt  }
0x6f: {  	_ =	shalt  }
0x70: {  	_ =	shalt  }
0x71: {  	_ =	shalt  }
0x72: {  	_ =	shalt  }
0x73: {  	_ =	shalt  }
0x74: {  	_ =	shalt  }
0x75: {  	_ =	shalt  }
0x76: {  	_ =	shalt  }
0x77: {  	_ =	shalt  }
0x78: {  	_ =	shalt  }
0x79: {  	_ =	shalt  }
0x7a: {  	_ =	shalt  }
0x7b: {  	_ =	shalt  }
0x7c: {  	_ =	shalt  }
0x7d: {  	_ =	shalt  }
0x7e: {  	_ =	shalt  }
0x7f: {  	_ =	shalt  }
0x80: {  	_ =	shalt  }
0x81: {  	_ =	shalt  }
0x82: {  	_ =	shalt  }
0x83: {  	_ =	shalt  }
0x84: {  	_ =	shalt  }
0x85: {  	_ =	shalt  }
0x86: {  	_ =	shalt  }
0x87: {  	_ =	shalt  }
.Lfunc_end0:
.L_simem_size_0:
called_computation_lowered:
.L_overlay_start_0:
0x88: {  	s2 =	sld [smem:$0x3FD9]  }
0x89: {  	s3 =	sld [smem:$0x3FFE];
	_ =	sdelay $0x1  }
0x8a: {  	s1 =	srdreg.scid  }
0x8b: {  	s0 =	sand.u32 $0x1, s1  }
0x8c: {  	s17 =	sshll.u32 s0, $0xA;
	s2 =	sadd.s32 s3, s2  }
0x8d: {  	s2 =	sadd.s32 s2, s17  }
0x8e: {  	[smem:$0x3FC2] =	sst s2  }
0x8f: {  	_ = 	snop  }
0x90: {  	s2 =	sld [smem:$0x3FD0];
	(tm) =	ssettm $0x1  }
0x91: {  	s18 =	sld [smem:$0x3FFB];
	_ =	sdelay $0x3  }
0x92: {  	_ =	strace s18  }
0x93: {  	s3 =	sld [smem:$0x3FFC];
	_ =	sdelay $0x3  }
0x94: {  	_ =	strace s3  }
0x95: {  	s3 =	sld [smem:$0x3FFD];
	_ =	sdelay $0x3  }
0x96: {  	_ =	strace s3  }
0x97: {  	_ =	strace $0x8FFFFFFF  }
0x98: {  	s19 =	sld [smem:$0x3FDB];
	_ =	sdelay $0x1  }
0x99: {  	s4 =	simm.s32 $_scs_section_size  }
0x9a: {  	s5 =	simm.s32 $_size__tile_overlayer_lowered;
	s6 =	simm.s32 $_tile_overlayer_lowered  }
0x9b: {  	s22 =	simm.s32 $0x1BFF;
	s21 =	sshll.u32 s6, $0x1;
	s3 =	sadd.s32 s4, s19  }
0x9c: {  	s7 =	simm.s32 $0x0;
	s20 =	sshll.u32 s5, $0x1;
	s5 =	sadd.s32 s21, s3  }
0x9d: {  	[timem:s7], [sflag:s22] =	dma.local [hbm:s5], s20  }
0x9e: {  	_ =	swait.ge [sflag:s22], s20  }
0x9f: {  	s4 =	ssub.s32 $0x0, s20;
	[sflag:s22] =	ssyncset.done $0x0  }
0xa0: {  	[sflag:s22] =	ssyncadd.s32 s4;
	_ =	sdelay $0x1  }
0xa1: {  	s23 =	simm.s32 $0x1B8B  }
0xa2: {  	_ =	swait.ge [sflag:s23], $0x1  }
0xa3: {  	[sflag:s23] =	ssyncset.done $0x0  }
0xa4: {  	s25 =	simm.s32 $0x1B8E;
	s24 =	sld [smem:$0x3FFE];
	[sflag:s23] =	ssyncadd.s32 $0xFFFFFFFF  }
0xa5: {  	s26 =	simm.s32 $execute0_lowered;
	[smem:$0x3FD2] =	sst s25  }
0xa6: {  	s5 =	sshll.u32 s26, $0x1;
	_ =	strace $0x80000046;
	[dreg:$0x1] =	wrdreg $0xFFFFFFFF  }
0xa7: {  	s28 =	simm.s32 $_size_execute0_lowered;
	s3 =	sadd.s32 s3, s5;
	[dreg:$0x0] =	wrdreg $0x0  }
0xa8: {  	s5 =	sshll.u32 s28, $0x1;
	[dreg:$0x2] =	wrdreg s3  }
0xa9: {  	[dreg:$0x3] =	wrdreg s5  }
0xaa: {  	[dreg:$0x4] =	wrdreg $0xC0  }
0xab: {  	_ =	task [dreg:s7], $0x5FFFF  }
0xac: {  	[dreg:$0x1] =	wrdreg $0xFFFFFFFF  }
0xad: {  	[dreg:$0x0] =	wrdreg $0x60  }
0xae: {  	[dreg:$0x2] =	wrdreg s24  }
0xaf: {  	[dreg:$0x3] =	wrdreg s2  }
0xb0: {  	[dreg:$0x4] =	wrdreg $0x9  }
0xb1: {  	_ =	task.clear_ibuf [dreg:s7], $0x5FFFF;
	_ =	strace $0x90000046  }
0xb2: {  	s29 =	simm.s32 $0x9;
	_ =	strace $0x80000048  }
0xb3: {  	_ =	swait.ge [sflag:s29], $0x1  }
0xb4: {  	[sflag:s29] =	ssyncadd.s32 $0xFFFFFFFF  }
0xb5: {  	_ =	strace $0x90000048  }
0xb6: {  	_ =	sfence  }
0xb7: {  	s30 =	sld [smem:$0x0];
	_ =	sdelay $0x2  }
0xb8: {  	s31 =	sshll.u32 s1, $0xD;
	s1 =	sshrl.u32 s1, $0x2  }
0xb9: {  	s3 =	sand.u32 $0x4000, s31;
	s1 =	sadd.s32 s1, s30  }
0xba: {  	s0 =	sor.u32 s3, s0;
	s1 =	sshll.u32 s1, $0x11  }
0xbb: {  	s0 =	sor.u32 s1, s0  }
0xbc: {  	s0 =	sadd.s32 $0x8F2B, s0  }
0xbd: {  	[sflag:s0] =	ssyncadd.remote.s32 $0x1  }
0xbe: {  	_ =	sfence.sel $0xFFFF  }
0xbf: {  	[dreg:$0x0] =	wrdreg $0xFFFFFFFF;
	(pc) =	sbr.abs _section_cstart, $3  }
0xc0: {  	[dreg:$0x1] =	wrdreg $0xFFFFFFFF  }
0xc1: {  	_ =	task.clear_ibuf [dreg:s7], $0x2FFFF;
	_ =	strace $0x9FFFFFFF  }
0xc2: {  	(tm) =	ssettm $0x7FFFFFFF  }
0xc3: {  	_ =	shalt  }
tec
execute0_lowered:
.L_overlay_start_1:
0x0: {  	(tag) =	ssettag $0x1  }
0x1: {  	s5 =	rddreg [dreg:$0x0]  }
0x2: {  	s7 =	rddreg [dreg:$0x1]  }
0x3: {  	s0 =	rddreg [dreg:$0x2];
	s1 =	simm.s32 $0x0;
	s2 =	srdreg.scid  }
0x4: {  	[smem:$0x7FF] =	sst s1;
	s3 =	sadd.s32 $0xE00, s5;
	s6 =	sand.u32 $0x1, s2  }
0x5: {  	s4 =	sadd.s32 $0x2400, s5;
	s2 =	stileid.u32;
	s8 =	ssub.s32 $0x2, s6  }
0x6: {  	s5 =	sadd.s32 $0xC00, s5;
	s6 =	sshll.u32 s6, $0x4;
	s9 =	sshrl.u32 s8, $0x1  }
0x7: {  	_ =	strace $0x80000047;
	s6 =	sor.u32 s2, s6;
	s8 =	ssub.s32 s8, s9  }
0x8: {  	s11 =	sshll.u32 s6, $0x6;
	s30 =	sshll.u32 s6, $0x11;
	s12 =	sshll.u32 s6, $0xE  }
.Ltmp0:
0x9: {  	s13 =	sshllo.u32 s6, $0x1;
	s9 =	simm.s32 $0x10800;
	(pc) =	sbr.rel .LBB2_1-.Ltmp0, $4  }
0xa: {  	s10 =	sor.u32 $0x10000, s30;
	s6 =	sadd.s32 s7, s12;
	s31 =	sshll.u32 s13, $0x10  }
0xb: {  	s13 =	sshll.u32 s13, $0xD;
	s8 =	smax.u32 s8, $0x1;
	s11 =	sshrl.u32 s11, $0x2  }
0xc: {  	v4 =	vimm.f32 $0.0e+00;
	v0 =	vmov s30;
	s12 =	simm.s32 $0x10000;
	s14 =	sadd.s32 $0x10000, s31;
	s7 =	sadd.s32 s7, s13  }
0xd: {  	v1 =	vmov s10;
	s10 =	simm.s32 $0x1;
	v2 =	vmov s31;
	s13 =	simm.s32 $0x10400;
	v3 =	vmov s14;
	s14 =	simm.s32 $0x0  }
.LBB2_13:
0xe: {  	s14 =	sadd.s32 $0x1, s14  }
0xf: {  	p0 =	sne.s32 s14, s8  }
.Ltmp1:
0x10: {  	_ = 	snop;
	(pc) =	sbr.rel @!p0 .LBB2_14-.Ltmp1, $4  }
0x11: {  	[hbm4b:s7+s1] =	stream.linear.scatter [tilespmem:s1], [sflag:$0x1], $0x10000, $0x38;
	[tilespmem:$0x10A00] =	vst v63  }
0x12: {  	_ =	swait.ge [sflag:s10], $0x10000  }
0x13: {  	[sflag:s10] =	ssyncset.done $0x0  }
0x14: {  	[sflag:s10] =	ssyncadd.s32 $0xFFFF0000  }
.LBB2_1:
0x15: {  	[tilespmem:s9], [sflag:$0x1] =	stream.linear.gather [hbm4b:s5+s1], $0x200, $0x38;
	[tilespmem:$0x10A00] =	vst v63  }
0x16: {  	_ =	swait.ge [sflag:s10], $0x200  }
0x17: {  	[sflag:s10] =	ssyncset.done $0x0  }
0x18: {  	s15 =	simm.s32 $0xFFFF0000;
	[sflag:s10] =	ssyncadd.s32 $0xFFFFFE00  }
0x19: {  	s16 =	simm.s32 $0x0;
	s17 =	simm.s32 $0x0;
	s18 =	simm.s32 $0x0;
	v5 =	vld [tilespmem:s11+$0x10800]  }
.LBB2_2:
0x1a: {  	s19 =	sadd.s32 $0x10000, s15  }
0x1b: {  	s20 =	sand.u32 $0x380, s18;
	s19 =	sand.u32 $0xC000, s19  }
0x1c: {  	s19 =	sor.u32 s20, s19  }
0x1d: {  	[tilespmem:s19+$0x0] =	vst v4  }
0x1e: {  	[tilespmem:s19+$0x10] =	vst v4  }
0x1f: {  	[tilespmem:s19+$0x20] =	vst v4  }
0x20: {  	[tilespmem:s19+$0x30] =	vst v4  }
0x21: {  	[tilespmem:s19+$0x40] =	vst v4  }
0x22: {  	[tilespmem:s19+$0x50] =	vst v4  }
0x23: {  	[tilespmem:s19+$0x60] =	vst v4  }
0x24: {  	[tilespmem:s19+$0x70] =	vst v4  }
0x25: {  	[tilespmem:s19+$0x400] =	vst v4  }
0x26: {  	[tilespmem:s19+$0x410] =	vst v4  }
0x27: {  	[tilespmem:s19+$0x420] =	vst v4  }
0x28: {  	[tilespmem:s19+$0x430] =	vst v4  }
0x29: {  	[tilespmem:s19+$0x440] =	vst v4  }
0x2a: {  	[tilespmem:s19+$0x450] =	vst v4  }
0x2b: {  	[tilespmem:s19+$0x460] =	vst v4  }
0x2c: {  	[tilespmem:s19+$0x470] =	vst v4  }
0x2d: {  	[tilespmem:s19+$0x800] =	vst v4  }
0x2e: {  	[tilespmem:s19+$0x810] =	vst v4  }
0x2f: {  	[tilespmem:s19+$0x820] =	vst v4  }
0x30: {  	[tilespmem:s19+$0x830] =	vst v4  }
0x31: {  	[tilespmem:s19+$0x840] =	vst v4  }
0x32: {  	[tilespmem:s19+$0x850] =	vst v4  }
0x33: {  	[tilespmem:s19+$0x860] =	vst v4  }
0x34: {  	[tilespmem:s19+$0x870] =	vst v4  }
0x35: {  	[tilespmem:s19+$0xC00] =	vst v4  }
0x36: {  	[tilespmem:s19+$0xC10] =	vst v4  }
0x37: {  	[tilespmem:s19+$0xC20] =	vst v4  }
0x38: {  	[tilespmem:s19+$0xC30] =	vst v4  }
0x39: {  	[tilespmem:s19+$0xC40] =	vst v4  }
0x3a: {  	[tilespmem:s19+$0xC50] =	vst v4  }
0x3b: {  	[tilespmem:s19+$0xC60] =	vst v4  }
0x3c: {  	[tilespmem:s19+$0xC70] =	vst v4  }
0x3d: {  	[tilespmem:s19+$0x1000] =	vst v4  }
0x3e: {  	[tilespmem:s19+$0x1010] =	vst v4  }
0x3f: {  	[tilespmem:s19+$0x1020] =	vst v4  }
0x40: {  	[tilespmem:s19+$0x1030] =	vst v4  }
0x41: {  	[tilespmem:s19+$0x1040] =	vst v4  }
0x42: {  	[tilespmem:s19+$0x1050] =	vst v4  }
0x43: {  	[tilespmem:s19+$0x1060] =	vst v4  }
0x44: {  	[tilespmem:s19+$0x1070] =	vst v4  }
0x45: {  	[tilespmem:s19+$0x1400] =	vst v4  }
0x46: {  	[tilespmem:s19+$0x1410] =	vst v4  }
0x47: {  	[tilespmem:s19+$0x1420] =	vst v4  }
0x48: {  	[tilespmem:s19+$0x1430] =	vst v4  }
0x49: {  	[tilespmem:s19+$0x1440] =	vst v4  }
0x4a: {  	[tilespmem:s19+$0x1450] =	vst v4  }
0x4b: {  	[tilespmem:s19+$0x1460] =	vst v4  }
0x4c: {  	[tilespmem:s19+$0x1470] =	vst v4  }
0x4d: {  	[tilespmem:s19+$0x1800] =	vst v4  }
0x4e: {  	[tilespmem:s19+$0x1810] =	vst v4  }
0x4f: {  	[tilespmem:s19+$0x1820] =	vst v4  }
0x50: {  	[tilespmem:s19+$0x1830] =	vst v4  }
0x51: {  	[tilespmem:s19+$0x1840] =	vst v4  }
0x52: {  	[tilespmem:s19+$0x1850] =	vst v4  }
0x53: {  	[tilespmem:s19+$0x1860] =	vst v4  }
0x54: {  	[tilespmem:s19+$0x1870] =	vst v4  }
0x55: {  	[tilespmem:s19+$0x1C00] =	vst v4  }
0x56: {  	[tilespmem:s19+$0x1C10] =	vst v4  }
0x57: {  	[tilespmem:s19+$0x1C20] =	vst v4  }
0x58: {  	[tilespmem:s19+$0x1C30] =	vst v4  }
0x59: {  	[tilespmem:s19+$0x1C40] =	vst v4  }
0x5a: {  	[tilespmem:s19+$0x1C50] =	vst v4  }
0x5b: {  	[tilespmem:s19+$0x1C60] =	vst v4  }
0x5c: {  	[tilespmem:s19+$0x1C70] =	vst v4  }
0x5d: {  	[tilespmem:s19+$0x2000] =	vst v4  }
0x5e: {  	[tilespmem:s19+$0x2010] =	vst v4  }
0x5f: {  	[tilespmem:s19+$0x2020] =	vst v4  }
0x60: {  	[tilespmem:s19+$0x2030] =	vst v4  }
0x61: {  	[tilespmem:s19+$0x2040] =	vst v4  }
0x62: {  	[tilespmem:s19+$0x2050] =	vst v4  }
0x63: {  	[tilespmem:s19+$0x2060] =	vst v4  }
0x64: {  	[tilespmem:s19+$0x2070] =	vst v4  }
0x65: {  	[tilespmem:s19+$0x2400] =	vst v4  }
0x66: {  	[tilespmem:s19+$0x2410] =	vst v4  }
0x67: {  	[tilespmem:s19+$0x2420] =	vst v4  }
0x68: {  	[tilespmem:s19+$0x2430] =	vst v4  }
0x69: {  	[tilespmem:s19+$0x2440] =	vst v4  }
0x6a: {  	[tilespmem:s19+$0x2450] =	vst v4  }
0x6b: {  	[tilespmem:s19+$0x2460] =	vst v4  }
0x6c: {  	[tilespmem:s19+$0x2470] =	vst v4  }
0x6d: {  	[tilespmem:s19+$0x2800] =	vst v4  }
0x6e: {  	[tilespmem:s19+$0x2810] =	vst v4  }
0x6f: {  	[tilespmem:s19+$0x2820] =	vst v4  }
0x70: {  	[tilespmem:s19+$0x2830] =	vst v4  }
0x71: {  	[tilespmem:s19+$0x2840] =	vst v4  }
0x72: {  	[tilespmem:s19+$0x2850] =	vst v4  }
0x73: {  	[tilespmem:s19+$0x2860] =	vst v4  }
0x74: {  	[tilespmem:s19+$0x2870] =	vst v4  }
0x75: {  	[tilespmem:s19+$0x2C00] =	vst v4  }
0x76: {  	[tilespmem:s19+$0x2C10] =	vst v4  }
0x77: {  	[tilespmem:s19+$0x2C20] =	vst v4  }
0x78: {  	[tilespmem:s19+$0x2C30] =	vst v4  }
0x79: {  	[tilespmem:s19+$0x2C40] =	vst v4  }
0x7a: {  	[tilespmem:s19+$0x2C50] =	vst v4  }
0x7b: {  	[tilespmem:s19+$0x2C60] =	vst v4  }
0x7c: {  	[tilespmem:s19+$0x2C70] =	vst v4  }
0x7d: {  	[tilespmem:s19+$0x3000] =	vst v4  }
0x7e: {  	[tilespmem:s19+$0x3010] =	vst v4  }
0x7f: {  	[tilespmem:s19+$0x3020] =	vst v4  }
0x80: {  	[tilespmem:s19+$0x3030] =	vst v4  }
0x81: {  	[tilespmem:s19+$0x3040] =	vst v4  }
0x82: {  	[tilespmem:s19+$0x3050] =	vst v4  }
0x83: {  	[tilespmem:s19+$0x3060] =	vst v4  }
0x84: {  	[tilespmem:s19+$0x3070] =	vst v4  }
0x85: {  	[tilespmem:s19+$0x3400] =	vst v4  }
0x86: {  	[tilespmem:s19+$0x3410] =	vst v4  }
0x87: {  	[tilespmem:s19+$0x3420] =	vst v4  }
0x88: {  	[tilespmem:s19+$0x3430] =	vst v4  }
0x89: {  	s24 =	sand.u32 $0x7, s16;
	[tilespmem:s19+$0x3440] =	vst v4  }
0x8a: {  	s20 =	sshll.u32 s24, $0x7;
	[tilespmem:s19+$0x3450] =	vst v4  }
0x8b: {  	s20 =	sadd.s32 s20, s17;
	[tilespmem:s19+$0x3460] =	vst v4  }
0x8c: {  	[tilespmem:s19+$0x3470] =	vst v4;
	s25 =	sor.u32 $0x3800, s20  }
0x8d: {  	s26 =	sor.u32 $0x3810, s20;
	[tilespmem:s25+$0x0] =	vst v4  }
0x8e: {  	s28 =	sor.u32 $0x3820, s20;
	[tilespmem:s26+$0x0] =	vst v4  }
0x8f: {  	s29 =	sor.u32 $0x3830, s20;
	[tilespmem:s28+$0x0] =	vst v4  }
0x90: {  	s30 =	sor.u32 $0x3840, s20;
	[tilespmem:s29+$0x0] =	vst v4  }
0x91: {  	s31 =	sor.u32 $0x3850, s20;
	[tilespmem:s30+$0x0] =	vst v4  }
0x92: {  	s21 =	sor.u32 $0x3860, s20;
	[tilespmem:s31+$0x0] =	vst v4  }
0x93: {  	s22 =	sor.u32 $0x3870, s20;
	[tilespmem:s21+$0x0] =	vst v4  }
0x94: {  	s23 =	sor.u32 $0x3C00, s20;
	[tilespmem:s22+$0x0] =	vst v4  }
0x95: {  	s24 =	sor.u32 $0x3C10, s20;
	[tilespmem:s23+$0x0] =	vst v4  }
0x96: {  	s25 =	sor.u32 $0x3C20, s20;
	[tilespmem:s24+$0x0] =	vst v4  }
0x97: {  	p0 =	sne.s32 s18, $0xF80;
	s26 =	sor.u32 $0x3C30, s20;
	[tilespmem:s25+$0x0] =	vst v4  }
.Ltmp2:
0x98: {  	s28 =	sor.u32 $0x3C40, s20;
	[tilespmem:s26+$0x0] =	vst v4;
	(pc) =	sbr.rel @p0 .LBB2_2-.Ltmp2, $4  }
0x99: {  	s29 =	sor.u32 $0x3C50, s20;
	[tilespmem:s28+$0x0] =	vst v4  }
0x9a: {  	s30 =	sor.u32 $0x3C60, s20;
	[tilespmem:s29+$0x0] =	vst v4  }
0x9b: {  	s16 =	sadd.s32 $0x1, s16;
	s31 =	sor.u32 $0x3C70, s20;
	[tilespmem:s30+$0x0] =	vst v4  }
0x9c: {  	s15 =	sadd.s32 $0x800, s15;
	s18 =	sadd.s32 $0x80, s18;
	s17 =	sadd.s32 $0x800, s17;
	[tilespmem:s31+$0x0] =	vst v4  }
0x9d: {  	(v2sf) =	vpush v5, $0x0  }
0x9e: {  	(v2sf) =	vpush v5, $0x1;
	_ =	sdelay $0xd  }
0x9f: {  	s16 =	spop (v2sf)  }
0xa0: {  	s15 =	spop (v2sf);
	s17 =	sand.u32 $0xFFFFFFF8, s16  }
0xa1: {  	s17 =	ssub.s32 s15, s17  }
0xa2: {  	s17 =	sadd.s32 $0x3FF, s17  }
0xa3: {  	s17 =	sshra.s32 s17, $0xA  }
0xa4: {  	p0 =	slt.s32 s17, $0x1  }
.Ltmp3:
0xa5: {  	_ = 	snop;
	(pc) =	sbr.rel @p0 .LBB2_7-.Ltmp3, $2  }
0xa6: {  	_ =	sdelay $0x2  }
0xa7: {  	s18 =	simm.s32 $0x0;
	s19 =	simm.s32 $0x0  }
.LBB2_4:
0xa8: {  	s20 =	sshll.u32 s19, $0xA  }
0xa9: {  	s20 =	sadd.s32 s16, s20  }
0xaa: {  	s20 =	sshrl.u32 s20, $0x3  }
0xab: {  	s21 =	sadd.s32 s3, s20  }
0xac: {  	[tilespmem:s12], [sflag:$0x1] =	stream.linear.gather [hbm4b:s21+s18], $0x400, $0x38;
	[tilespmem:$0x10A00] =	vst v63  }
0xad: {  	_ =	swait.ge [sflag:s10], $0x400  }
0xae: {  	[sflag:s10] =	ssyncset.done $0x0  }
0xaf: {  	s20 =	sadd.s32 s4, s20;
	[sflag:s10] =	ssyncadd.s32 $0xFFFFFC00  }
0xb0: {  	[tilespmem:s13], [sflag:$0x1] =	stream.linear.gather [hbm4b:s20+s18], $0x400, $0x38;
	[tilespmem:$0x10A00] =	vst v63  }
0xb1: {  	_ =	swait.ge [sflag:s10], $0x400  }
0xb2: {  	[sflag:s10] =	ssyncset.done $0x0  }
0xb3: {  	s21 =	simm.s32 $0x40;
	s20 =	simm.s32 $0x0;
	[sflag:s10] =	ssyncadd.s32 $0xFFFFFC00  }
.LBB2_5:
0xb4: {  	p0 =	sne.s32 s21, $0xFC0;
	v6 =	vld [tilespmem:s20+$0x10000];
	_ =	sdelay $0x4  }
0xb5: {  	vm0 =	vge.s32 v6, v0;
	vm1 =	vlt.s32 v6, v1  }
0xb6: {  	v6 =	vsub.s32 v6, v0;
	vm0 =	vmand vm0, vm1  }
0xb7: {  	v6 =	vnsel vm0, $0x0, v6  }
0xb8: {  	v7 =	vshll.u32 v6, $0x3  }
0xb9: {  	v8 =	vshrl.u32 v6, $0x4;
	v6 =	vand.u32 $0xFFFFC07F, v6;
	v7 =	vand.u32 $0x3C00, v7  }
0xba: {  	v8 =	vand.u32 $0x380, v8;
	v6 =	vor.u32 v7, v6  }
0xbb: {  	v7 =	vld [tilespmem:s20+$0x10400];
	v6 =	vor.u32 v8, v6  }
.Ltmp4:
0xbc: {  	(pc) =	sbr.rel @p0 .LBB2_5-.Ltmp4, $2  }
0xbd: {  	_ =	sdelay $0x2  }
0xbe: {  	s20 =	sshra.s32 s21, $0x2;
	s21 =	sadd.s32 $0x40, s21;
	[tilespmem:v6+s1+$0x0] =	vst.idx.msk vm0, v7  }
0xbf: {  	v6 =	vld [tilespmem:s20+$0x10000];
	_ =	sdelay $0x4  }
0xc0: {  	vm0 =	vge.s32 v6, v0;
	vm1 =	vlt.s32 v6, v1  }
0xc1: {  	v6 =	vsub.s32 v6, v0;
	vm0 =	vmand vm0, vm1  }
0xc2: {  	v6 =	vnsel vm0, $0x0, v6  }
0xc3: {  	v7 =	vshll.u32 v6, $0x3  }
0xc4: {  	v8 =	vshrl.u32 v6, $0x4;
	v6 =	vand.u32 $0xFFFFC07F, v6;
	v7 =	vand.u32 $0x3C00, v7  }
0xc5: {  	s19 =	sadd.s32 $0x1, s19;
	v8 =	vand.u32 $0x380, v8;
	v6 =	vor.u32 v7, v6  }
0xc6: {  	p0 =	sne.s32 s19, s17;
	v7 =	vld [tilespmem:s20+$0x10400];
	v6 =	vor.u32 v8, v6  }
.Ltmp5:
0xc7: {  	_ = 	snop;
	(pc) =	sbr.rel @p0 .LBB2_4-.Ltmp5, $2  }
0xc8: {  	_ =	sdelay $0x2  }
0xc9: {  	[tilespmem:v6+s1+$0x0] =	vst.idx.msk vm0, v7  }
.LBB2_7:
0xca: {  	s16 =	simm.s32 $0x0  }
0xcb: {  	[hbm4b:s6+s16] =	stream.linear.scatter [tilespmem:s16], [sflag:$0x1], $0x10000, $0x38;
	[tilespmem:$0x10A00] =	vst v63  }
0xcc: {  	_ =	swait.ge [sflag:s10], $0x10000  }
0xcd: {  	s17 =	simm.s32 $0xFFFF0000;
	[sflag:s10] =	ssyncset.done $0x0  }
0xce: {  	s18 =	simm.s32 $0x0;
	s19 =	simm.s32 $0x0;
	[sflag:s10] =	ssyncadd.s32 $0xFFFF0000  }
.LBB2_8:
0xcf: {  	s20 =	sadd.s32 $0x10000, s17  }
0xd0: {  	s21 =	sand.u32 $0x380, s19;
	s20 =	sand.u32 $0xC000, s20  }
0xd1: {  	s20 =	sor.u32 s21, s20  }
0xd2: {  	[tilespmem:s20+$0x0] =	vst v4  }
0xd3: {  	[tilespmem:s20+$0x10] =	vst v4  }
0xd4: {  	[tilespmem:s20+$0x20] =	vst v4  }
0xd5: {  	[tilespmem:s20+$0x30] =	vst v4  }
0xd6: {  	[tilespmem:s20+$0x40] =	vst v4  }
0xd7: {  	[tilespmem:s20+$0x50] =	vst v4  }
0xd8: {  	[tilespmem:s20+$0x60] =	vst v4  }
0xd9: {  	[tilespmem:s20+$0x70] =	vst v4  }
0xda: {  	[tilespmem:s20+$0x400] =	vst v4  }
0xdb: {  	[tilespmem:s20+$0x410] =	vst v4  }
0xdc: {  	[tilespmem:s20+$0x420] =	vst v4  }
0xdd: {  	[tilespmem:s20+$0x430] =	vst v4  }
0xde: {  	[tilespmem:s20+$0x440] =	vst v4  }
0xdf: {  	[tilespmem:s20+$0x450] =	vst v4  }
0xe0: {  	[tilespmem:s20+$0x460] =	vst v4  }
0xe1: {  	[tilespmem:s20+$0x470] =	vst v4  }
0xe2: {  	[tilespmem:s20+$0x800] =	vst v4  }
0xe3: {  	[tilespmem:s20+$0x810] =	vst v4  }
0xe4: {  	[tilespmem:s20+$0x820] =	vst v4  }
0xe5: {  	[tilespmem:s20+$0x830] =	vst v4  }
0xe6: {  	[tilespmem:s20+$0x840] =	vst v4  }
0xe7: {  	[tilespmem:s20+$0x850] =	vst v4  }
0xe8: {  	[tilespmem:s20+$0x860] =	vst v4  }
0xe9: {  	[tilespmem:s20+$0x870] =	vst v4  }
0xea: {  	[tilespmem:s20+$0xC00] =	vst v4  }
0xeb: {  	[tilespmem:s20+$0xC10] =	vst v4  }
0xec: {  	[tilespmem:s20+$0xC20] =	vst v4  }
0xed: {  	[tilespmem:s20+$0xC30] =	vst v4  }
0xee: {  	[tilespmem:s20+$0xC40] =	vst v4  }
0xef: {  	[tilespmem:s20+$0xC50] =	vst v4  }
0xf0: {  	[tilespmem:s20+$0xC60] =	vst v4  }
0xf1: {  	[tilespmem:s20+$0xC70] =	vst v4  }
0xf2: {  	[tilespmem:s20+$0x1000] =	vst v4  }
0xf3: {  	[tilespmem:s20+$0x1010] =	vst v4  }
0xf4: {  	[tilespmem:s20+$0x1020] =	vst v4  }
0xf5: {  	[tilespmem:s20+$0x1030] =	vst v4  }
0xf6: {  	[tilespmem:s20+$0x1040] =	vst v4  }
0xf7: {  	[tilespmem:s20+$0x1050] =	vst v4  }
0xf8: {  	[tilespmem:s20+$0x1060] =	vst v4  }
0xf9: {  	[tilespmem:s20+$0x1070] =	vst v4  }
0xfa: {  	[tilespmem:s20+$0x1400] =	vst v4  }
0xfb: {  	[tilespmem:s20+$0x1410] =	vst v4  }
0xfc: {  	[tilespmem:s20+$0x1420] =	vst v4  }
0xfd: {  	[tilespmem:s20+$0x1430] =	vst v4  }
0xfe: {  	[tilespmem:s20+$0x1440] =	vst v4  }
0xff: {  	[tilespmem:s20+$0x1450] =	vst v4  }
0x100: {  	[tilespmem:s20+$0x1460] =	vst v4  }
0x101: {  	[tilespmem:s20+$0x1470] =	vst v4  }
0x102: {  	[tilespmem:s20+$0x1800] =	vst v4  }
0x103: {  	[tilespmem:s20+$0x1810] =	vst v4  }
0x104: {  	[tilespmem:s20+$0x1820] =	vst v4  }
0x105: {  	[tilespmem:s20+$0x1830] =	vst v4  }
0x106: {  	[tilespmem:s20+$0x1840] =	vst v4  }
0x107: {  	[tilespmem:s20+$0x1850] =	vst v4  }
0x108: {  	[tilespmem:s20+$0x1860] =	vst v4  }
0x109: {  	[tilespmem:s20+$0x1870] =	vst v4  }
0x10a: {  	[tilespmem:s20+$0x1C00] =	vst v4  }
0x10b: {  	[tilespmem:s20+$0x1C10] =	vst v4  }
0x10c: {  	[tilespmem:s20+$0x1C20] =	vst v4  }
0x10d: {  	[tilespmem:s20+$0x1C30] =	vst v4  }
0x10e: {  	[tilespmem:s20+$0x1C40] =	vst v4  }
0x10f: {  	[tilespmem:s20+$0x1C50] =	vst v4  }
0x110: {  	[tilespmem:s20+$0x1C60] =	vst v4  }
0x111: {  	[tilespmem:s20+$0x1C70] =	vst v4  }
0x112: {  	[tilespmem:s20+$0x2000] =	vst v4  }
0x113: {  	[tilespmem:s20+$0x2010] =	vst v4  }
0x114: {  	[tilespmem:s20+$0x2020] =	vst v4  }
0x115: {  	[tilespmem:s20+$0x2030] =	vst v4  }
0x116: {  	[tilespmem:s20+$0x2040] =	vst v4  }
0x117: {  	[tilespmem:s20+$0x2050] =	vst v4  }
0x118: {  	[tilespmem:s20+$0x2060] =	vst v4  }
0x119: {  	[tilespmem:s20+$0x2070] =	vst v4  }
0x11a: {  	[tilespmem:s20+$0x2400] =	vst v4  }
0x11b: {  	[tilespmem:s20+$0x2410] =	vst v4  }
0x11c: {  	[tilespmem:s20+$0x2420] =	vst v4  }
0x11d: {  	[tilespmem:s20+$0x2430] =	vst v4  }
0x11e: {  	[tilespmem:s20+$0x2440] =	vst v4  }
0x11f: {  	[tilespmem:s20+$0x2450] =	vst v4  }
0x120: {  	[tilespmem:s20+$0x2460] =	vst v4  }
0x121: {  	[tilespmem:s20+$0x2470] =	vst v4  }
0x122: {  	[tilespmem:s20+$0x2800] =	vst v4  }
0x123: {  	[tilespmem:s20+$0x2810] =	vst v4  }
0x124: {  	[tilespmem:s20+$0x2820] =	vst v4  }
0x125: {  	[tilespmem:s20+$0x2830] =	vst v4  }
0x126: {  	[tilespmem:s20+$0x2840] =	vst v4  }
0x127: {  	[tilespmem:s20+$0x2850] =	vst v4  }
0x128: {  	[tilespmem:s20+$0x2860] =	vst v4  }
0x129: {  	[tilespmem:s20+$0x2870] =	vst v4  }
0x12a: {  	[tilespmem:s20+$0x2C00] =	vst v4  }
0x12b: {  	[tilespmem:s20+$0x2C10] =	vst v4  }
0x12c: {  	[tilespmem:s20+$0x2C20] =	vst v4  }
0x12d: {  	[tilespmem:s20+$0x2C30] =	vst v4  }
0x12e: {  	[tilespmem:s20+$0x2C40] =	vst v4  }
0x12f: {  	[tilespmem:s20+$0x2C50] =	vst v4  }
0x130: {  	[tilespmem:s20+$0x2C60] =	vst v4  }
0x131: {  	[tilespmem:s20+$0x2C70] =	vst v4  }
0x132: {  	[tilespmem:s20+$0x3000] =	vst v4  }
0x133: {  	[tilespmem:s20+$0x3010] =	vst v4  }
0x134: {  	[tilespmem:s20+$0x3020] =	vst v4  }
0x135: {  	[tilespmem:s20+$0x3030] =	vst v4  }
0x136: {  	[tilespmem:s20+$0x3040] =	vst v4  }
0x137: {  	[tilespmem:s20+$0x3050] =	vst v4  }
0x138: {  	[tilespmem:s20+$0x3060] =	vst v4  }
0x139: {  	[tilespmem:s20+$0x3070] =	vst v4  }
0x13a: {  	[tilespmem:s20+$0x3400] =	vst v4  }
0x13b: {  	[tilespmem:s20+$0x3410] =	vst v4  }
0x13c: {  	[tilespmem:s20+$0x3420] =	vst v4  }
0x13d: {  	[tilespmem:s20+$0x3430] =	vst v4  }
0x13e: {  	s23 =	sand.u32 $0x7, s16;
	[tilespmem:s20+$0x3440] =	vst v4  }
0x13f: {  	s21 =	sshll.u32 s23, $0x7;
	[tilespmem:s20+$0x3450] =	vst v4  }
0x140: {  	s21 =	sadd.s32 s21, s18;
	[tilespmem:s20+$0x3460] =	vst v4  }
0x141: {  	[tilespmem:s20+$0x3470] =	vst v4;
	s24 =	sor.u32 $0x3800, s21  }
0x142: {  	s25 =	sor.u32 $0x3810, s21;
	[tilespmem:s24+$0x0] =	vst v4  }
0x143: {  	s26 =	sor.u32 $0x3820, s21;
	[tilespmem:s25+$0x0] =	vst v4  }
0x144: {  	s28 =	sor.u32 $0x3830, s21;
	[tilespmem:s26+$0x0] =	vst v4  }
0x145: {  	s29 =	sor.u32 $0x3840, s21;
	[tilespmem:s28+$0x0] =	vst v4  }
0x146: {  	s30 =	sor.u32 $0x3850, s21;
	[tilespmem:s29+$0x0] =	vst v4  }
0x147: {  	s31 =	sor.u32 $0x3860, s21;
	[tilespmem:s30+$0x0] =	vst v4  }
0x148: {  	s22 =	sor.u32 $0x3870, s21;
	[tilespmem:s31+$0x0] =	vst v4  }
0x149: {  	s23 =	sor.u32 $0x3C00, s21;
	[tilespmem:s22+$0x0] =	vst v4  }
0x14a: {  	s24 =	sor.u32 $0x3C10, s21;
	[tilespmem:s23+$0x0] =	vst v4  }
0x14b: {  	s25 =	sor.u32 $0x3C20, s21;
	[tilespmem:s24+$0x0] =	vst v4  }
0x14c: {  	p0 =	sne.s32 s19, $0xF80;
	s26 =	sor.u32 $0x3C30, s21;
	[tilespmem:s25+$0x0] =	vst v4  }
.Ltmp6:
0x14d: {  	s28 =	sor.u32 $0x3C40, s21;
	[tilespmem:s26+$0x0] =	vst v4;
	(pc) =	sbr.rel @p0 .LBB2_8-.Ltmp6, $4  }
0x14e: {  	s29 =	sor.u32 $0x3C50, s21;
	[tilespmem:s28+$0x0] =	vst v4  }
0x14f: {  	s30 =	sor.u32 $0x3C60, s21;
	[tilespmem:s29+$0x0] =	vst v4  }
0x150: {  	s16 =	sadd.s32 $0x1, s16;
	s31 =	sor.u32 $0x3C70, s21;
	[tilespmem:s30+$0x0] =	vst v4  }
0x151: {  	s17 =	sadd.s32 $0x800, s17;
	s19 =	sadd.s32 $0x80, s19;
	s18 =	sadd.s32 $0x800, s18;
	[tilespmem:s31+$0x0] =	vst v4  }
0x152: {  	(v2sf) =	vpush v5, $0x2;
	_ =	sdelay $0xe  }
0x153: {  	s17 =	sand.u32 $0xFFFFFFF8, s15;
	s16 =	spop (v2sf)  }
0x154: {  	s16 =	ssub.s32 s16, s17  }
0x155: {  	s16 =	sadd.s32 $0x3FF, s16  }
0x156: {  	s16 =	sshra.s32 s16, $0xA  }
0x157: {  	p0 =	slt.s32 s16, $0x1  }
.Ltmp7:
0x158: {  	_ = 	snop;
	(pc) =	sbr.rel @p0 .LBB2_13-.Ltmp7, $2  }
0x159: {  	_ =	sdelay $0x2  }
0x15a: {  	s18 =	simm.s32 $0x0;
	s17 =	simm.s32 $0x0  }
.LBB2_10:
0x15b: {  	s19 =	sshll.u32 s18, $0xA  }
0x15c: {  	s19 =	sadd.s32 s15, s19  }
0x15d: {  	s19 =	sshrl.u32 s19, $0x3  }
0x15e: {  	s20 =	sadd.s32 s3, s19  }
0x15f: {  	[tilespmem:s12], [sflag:$0x1] =	stream.linear.gather [hbm4b:s20+s17], $0x400, $0x38;
	[tilespmem:$0x10A00] =	vst v63  }
0x160: {  	_ =	swait.ge [sflag:s10], $0x400  }
0x161: {  	[sflag:s10] =	ssyncset.done $0x0  }
0x162: {  	s19 =	sadd.s32 s4, s19;
	[sflag:s10] =	ssyncadd.s32 $0xFFFFFC00  }
0x163: {  	[tilespmem:s13], [sflag:$0x1] =	stream.linear.gather [hbm4b:s19+s17], $0x400, $0x38;
	[tilespmem:$0x10A00] =	vst v63  }
0x164: {  	_ =	swait.ge [sflag:s10], $0x400  }
0x165: {  	[sflag:s10] =	ssyncset.done $0x0  }
0x166: {  	s20 =	simm.s32 $0x40;
	s19 =	simm.s32 $0x0;
	[sflag:s10] =	ssyncadd.s32 $0xFFFFFC00  }
.LBB2_11:
0x167: {  	p0 =	sne.s32 s20, $0xFC0;
	v5 =	vld [tilespmem:s19+$0x10000];
	_ =	sdelay $0x4  }
0x168: {  	vm0 =	vge.s32 v5, v2;
	vm1 =	vlt.s32 v5, v3  }
0x169: {  	v5 =	vsub.s32 v5, v2;
	vm0 =	vmand vm0, vm1  }
0x16a: {  	v5 =	vnsel vm0, $0x0, v5  }
0x16b: {  	v6 =	vshll.u32 v5, $0x3  }
0x16c: {  	v7 =	vshrl.u32 v5, $0x4;
	v5 =	vand.u32 $0xFFFFC07F, v5;
	v6 =	vand.u32 $0x3C00, v6  }
0x16d: {  	v7 =	vand.u32 $0x380, v7;
	v5 =	vor.u32 v6, v5  }
0x16e: {  	v6 =	vld [tilespmem:s19+$0x10400];
	v5 =	vor.u32 v7, v5  }
.Ltmp8:
0x16f: {  	(pc) =	sbr.rel @p0 .LBB2_11-.Ltmp8, $2  }
0x170: {  	_ =	sdelay $0x2  }
0x171: {  	s19 =	sshra.s32 s20, $0x2;
	s20 =	sadd.s32 $0x40, s20;
	[tilespmem:v5+s1+$0x0] =	vst.idx.msk vm0, v6  }
0x172: {  	v5 =	vld [tilespmem:s19+$0x10000];
	_ =	sdelay $0x4  }
0x173: {  	vm0 =	vge.s32 v5, v2;
	vm1 =	vlt.s32 v5, v3  }
0x174: {  	v5 =	vsub.s32 v5, v2;
	vm0 =	vmand vm0, vm1  }
0x175: {  	v5 =	vnsel vm0, $0x0, v5  }
0x176: {  	v6 =	vshll.u32 v5, $0x3  }
0x177: {  	v7 =	vshrl.u32 v5, $0x4;
	v5 =	vand.u32 $0xFFFFC07F, v5;
	v6 =	vand.u32 $0x3C00, v6  }
0x178: {  	s18 =	sadd.s32 $0x1, s18;
	v7 =	vand.u32 $0x380, v7;
	v5 =	vor.u32 v6, v5  }
0x179: {  	p0 =	sne.s32 s18, s16;
	v6 =	vld [tilespmem:s19+$0x10400];
	v5 =	vor.u32 v7, v5  }
.Ltmp9:
0x17a: {  	_ = 	snop;
	(pc) =	sbr.rel @p0 .LBB2_10-.Ltmp9, $4  }
.Ltmp10:
0x17b: {  	_ = 	snop;
	(pc) =	sbr.rel @!p0 .LBB2_13-.Ltmp10, $4  }
0x17c: {  	_ = 	snop  }
0x17d: {  	_ = 	snop  }
0x17e: {  	[tilespmem:v5+s1+$0x0] =	vst.idx.msk vm0, v6  }
0x17f: {  	_ = 	snop  }
.LBB2_14:
0x180: {  	_ =	sfence.sel $0x180000  }
0x181: {  	[bflag:$0x0] =	sbarrier.arrive $0xFFFF  }
0x182: {  	p0 =	sne.s32 s2, $0x0;
	_ =	strace $0x90000047  }
0x183: {  	s0 =	sadd.s32 @!p0 $0x100000, s0;
	[bflag:$0x2] =	sbarrier.arrive $0xFFFF  }
0x184: {  	[sflag:s0] =	ssyncadd.tile.s32 @!p0 $0x1;
	_ =	shalt  }
.Lfunc_end2:
_tile_overlayer_lowered:
.L_overlay_start_2:
0x185: {  	(tag) =	ssettag $0x2  }
0x186: {  	s0 =	rddreg [dreg:$0x0];
	s2 =	stileid.u32  }
0x187: {  	s1 =	rddreg [dreg:$0x1];
	p0 =	sne.s32 s2, $0x0  }
0x188: {  	s3 =	rddreg [dreg:$0x2];
	[bflag:$0x3] =	sbarrier.arrive $0xFFFF;
	s2 =	simm.s32 @!p0 $0x1C01  }
0x189: {  	[timem:s3], [sflag:s2] =	dma.local @!p0 [hbm:s0], s1  }
0x18a: {  	s0 =	simm.s32 @!p0 $0x1  }
0x18b: {  	_ =	swait.ge @!p0 [sflag:s0], s1  }
0x18c: {  	s1 =	ssub.s32 @!p0 $0x0, s1;
	[sflag:s0] =	ssyncset.done @!p0 $0x0  }
0x18d: {  	[sflag:s0] =	ssyncadd.s32 @!p0 s1  }
0x18e: {  	[bflag:$0x3] =	sbarrier.arrive $0xFFFF  }
0x18f: {  	_ =	shalt  }

</sc_bundles>
